<compile_context>
chip_gen: v7x
topology: tpu7x:2x2x1
jax: 0.10.2.dev20260603
libtpu: 0.0.44.dev20260713+nightly
codegen_flags: <defaults>
</compile_context>

<pallas_src>
import functools

import jax
import jax.numpy as jnp
from jax import lax
from jax.experimental import pallas as pl
from jax.experimental.pallas import tpu as pltpu, tpu_sc as plsc


def _make(B, V, NC, NS):
    NW = NC * NS
    b_per_w = B // NW
    BATCH16 = 16
    n_batch = b_per_w // BATCH16
    mesh = plsc.VectorSubcoreMesh(core_axis_name="c", subcore_axis_name="s")

    @functools.partial(
        pl.kernel,
        mesh=mesh,
        out_type=jax.ShapeDtypeStruct((32, B), jnp.float32),
        scratch_types=[
            pltpu.VMEM((b_per_w,), jnp.int32),
            pltpu.VMEM((BATCH16, 32, 128), jnp.float32),
            pltpu.VMEM((32, b_per_w), jnp.float32),
            pltpu.SemaphoreType.DMA,
        ],
        compiler_params=pltpu.CompilerParams(
            disable_bounds_checks=True, needs_layout_passes=False
        ),
    )
    def k(idx_hbm, tab_hbm, out_hbm, idx_v, bufs, stage, sem):
        wid = lax.axis_index("s") * NC + lax.axis_index("c")
        base = wid * b_per_w
        pltpu.sync_copy(idx_hbm.at[pl.ds(base, b_per_w)], idx_v)
        row16 = lax.iota(jnp.int32, 16)

        def fire(cv, l):
            start = pl.multiple_of(cv[l] & ~jnp.int32(127), 128)
            return pltpu.async_copy(
                tab_hbm.at[:, pl.ds(start, 128)], bufs.at[l], sem
            )

        def extract(cv, j0, l):
            cl = jnp.full((16,), cv[l] & 127, jnp.int32)
            jv = jnp.full((16,), j0 + l, jnp.int32)
            v0 = plsc.load_gather(bufs.at[l], [row16, cl])
            v1 = plsc.load_gather(bufs.at[l], [row16 + 16, cl])
            plsc.store_scatter(stage, [row16, jv], v0)
            plsc.store_scatter(stage, [row16 + 16, jv], v1)

        def batch(b, _):
            j0 = b * BATCH16
            cv = idx_v[pl.ds(j0, BATCH16)]
            copies = [fire(cv, l) for l in range(16)]
            for l in range(16):
                copies[l].wait()
                extract(cv, j0, l)
            return _

        lax.fori_loop(0, n_batch, batch, 0)
        pltpu.sync_copy(stage, out_hbm.at[:, pl.ds(base, b_per_w)])

    return k


def kernel(class_id, table):
    (B,) = class_id.shape
    V, D = table.shape
    info = plsc.get_sparse_core_info()
    NC, NS = info.num_cores, info.num_subcores
    tt = table.T
    out_t = _make(B, V, NC, NS)(class_id.astype(jnp.int32), tt)
    return out_t.T

# --- scband reference (transcript-rebuilt; emitter-appended) ---
"""Pipeline reference for scband-class-embedding-87935160418881 (READ-ONLY COPY).

The authoritative reference and input builder live on the scoring server;
editing this copy changes nothing except your own understanding.
"""

import jax, jax.numpy as jnp
import numpy as np

NUM_CLASS = 1000000
EMBED_DIM = 32
BATCH = 16384

def setup_inputs(seed: int = 0) -> dict:
    key = jax.random.key(seed)
    k_idx, k_tab = jax.random.split(key)
    class_id = jax.random.randint(k_idx, (BATCH,), 0, NUM_CLASS, dtype=jnp.int64 if jax.config.jax_enable_x64 else jnp.int32)
    table = jax.random.normal(k_tab, (NUM_CLASS, EMBED_DIM), dtype=jnp.float32)
    return {"class_id": class_id, "table": table}

def reference(class_id, table):
    # nn.Embedding forward: row gather from the embedding table
    return jnp.take(table, class_id, axis=0)

if __name__ == "__main__":
    import jax
    _d = setup_inputs()
    print(jax.jit(kernel)(*tuple(_d.values())))

</pallas_src>

<mosaic_0001>
#map = affine_map<(d0, d1) -> (0)>
#map1 = affine_map<(d0, d1) -> (0, 0)>
module attributes {stable_mosaic.version = 14 : i64} {
  func.func @k(%arg0: i32, %arg1: i32, %arg2: memref<16384xi32, #tpu.memory_space<hbm>>, %arg3: memref<32x1000000xf32, #tpu.memory_space<hbm>>, %arg4: memref<32x16384xf32, #tpu.memory_space<hbm>>, %arg5: memref<512xi32, #tpu.memory_space<vmem>>, %arg6: memref<16x32x128xf32, #tpu.memory_space<vmem>>, %arg7: memref<32x512xf32, #tpu.memory_space<vmem>>, %arg8: memref<!tpu.dma_semaphore, #tpu.memory_space<semaphore_mem>>) attributes {dimension_semantics = [#tpu.dimension_semantics<core_parallel>, #tpu.dimension_semantics<subcore_parallel>], iteration_bounds = array<i64: 2, 16>, scalar_prefetch = 0 : i64, scratch_operands = 4 : i64, tpu.core_type = #tpu.core_type<sc_vector_subcore>, window_params = [{transform_indices = #map}, {transform_indices = #map1}, {transform_indices = #map1}]} {
    %mul3A = arith.constant 2 : i32
    %mul3A_0 = arith.muli %arg1, %mul3A : i32
    %add3A = arith.addi %mul3A_0, %arg0 : i32
    %mul3A_1 = arith.constant 512 : i32
    %mul3A_2 = arith.muli %add3A, %mul3A_1 : i32
    "tpu.region"() ({
      %run_scoped3A = tpu.sem_alloc : memref<!tpu.dma_semaphore, #tpu.memory_space<semaphore_mem>>
      %dma_start3A = tpu.memref_slice %arg2[%mul3A_2] : memref<16384xi32, #tpu.memory_space<hbm>> -> memref<512xi32, #tpu.memory_space<hbm>>
      %dma_start3A_8 = tpu.memref_slice %arg2[%mul3A_2] : memref<16384xi32, #tpu.memory_space<hbm>> -> memref<512xi32, #tpu.memory_space<hbm>>
      tpu.enqueue_dma source(%dma_start3A_8 : memref<512xi32, #tpu.memory_space<hbm>>) target(%arg5 : memref<512xi32, #tpu.memory_space<vmem>>) target_semaphore(%run_scoped3A : memref<!tpu.dma_semaphore, #tpu.memory_space<semaphore_mem>>)
      %dma_wait3A = tpu.memref_slice %arg2[%mul3A_2] : memref<16384xi32, #tpu.memory_space<hbm>> -> memref<512xi32, #tpu.memory_space<hbm>>
      %dma_wait3A_9 = tpu.memref_slice %arg2[%mul3A_2] : memref<16384xi32, #tpu.memory_space<hbm>> -> memref<512xi32, #tpu.memory_space<hbm>>
      tpu.wait_dma2 semaphore(%run_scoped3A : memref<!tpu.dma_semaphore, #tpu.memory_space<semaphore_mem>>) src(%dma_wait3A_9 : memref<512xi32, #tpu.memory_space<hbm>>) dst(%arg5 : memref<512xi32, #tpu.memory_space<vmem>>)
      tpu.yield
    }) : () -> ()
    %iota3A = tpu.iota {dimensions = array<i32: 0>} : vector<16xi32>
    %scan3A = arith.constant 0 : i32
    %scan3A_3 = arith.constant 0 : i32
    %scan3A_4 = arith.constant 32 : i32
    %scan3A_5 = arith.addi %scan3A_3, %scan3A_4 : i32
    %scan3A_6 = arith.constant 1 : i32
    scf.for %scan3A_8 = %scan3A_3 to %scan3A_5 step %scan3A_6  : i32 {
      %mul3A_9 = arith.constant 16 : i32
      %mul3A_10 = arith.muli %scan3A_8, %mul3A_9 : i32
      %get3A = arith.index_cast %mul3A_10 : i32 to index
      %get3A_11 = tpu.vector_load %arg5[%get3A] {strides = array<i32>} : memref<512xi32, #tpu.memory_space<vmem>>, vector<16xi32>,
      %slice3A = vector.extract_strided_slice %get3A_11 {offsets = [0], sizes = [1], strides = [1]} : vector<16xi32> to vector<1xi32>
      %squeeze3A = vector.extract %slice3A[0] : i32 from vector<1xi32>
      %not3A = arith.constant 127 : i32
      %not3A_12 = arith.constant -1 : i32
      %not3A_13 = arith.xori %not3A, %not3A_12 : i32
      %and3A = arith.andi %squeeze3A, %not3A_13 : i32
      %multiple_of3A = tpu.assume_multiple %and3A, 128 : i32
      %dma_start3A = arith.constant 0 : i32
      %dma_start3A_14 = arith.constant 0 : i32
      %dma_start3A_15 = arith.constant 0 : i32
      %dma_start3A_16 = tpu.memref_slice %arg6[%dma_start3A, %dma_start3A_14, %dma_start3A_15] : memref<16x32x128xf32, #tpu.memory_space<vmem>> -> memref<1x32x128xf32, #tpu.memory_space<vmem>>
      %dma_start3A_17 = tpu.memref_squeeze %dma_start3A_16 : memref<1x32x128xf32, #tpu.memory_space<vmem>> -> memref<32x128xf32, #tpu.memory_space<vmem>>
      %dma_start3A_18 = arith.constant 0 : i32
      %dma_start3A_19 = tpu.memref_slice %arg3[%dma_start3A_18, %multiple_of3A] : memref<32x1000000xf32, #tpu.memory_space<hbm>> -> memref<32x128xf32, #tpu.memory_space<hbm>>
      %dma_start3A_20 = arith.constant 0 : i32
      %dma_start3A_21 = arith.constant 0 : i32
      %dma_start3A_22 = tpu.memref_slice %arg6[%dma_start3A, %dma_start3A_20, %dma_start3A_21] : memref<16x32x128xf32, #tpu.memory_space<vmem>> -> memref<1x32x128xf32, #tpu.memory_space<vmem>>
      %dma_start3A_23 = tpu.memref_squeeze %dma_start3A_22 : memref<1x32x128xf32, #tpu.memory_space<vmem>> -> memref<32x128xf32, #tpu.memory_space<vmem>>
      %dma_start3A_24 = arith.constant 0 : i32
      %dma_start3A_25 = tpu.memref_slice %arg3[%dma_start3A_24, %multiple_of3A] : memref<32x1000000xf32, #tpu.memory_space<hbm>> -> memref<32x128xf32, #tpu.memory_space<hbm>>
      tpu.enqueue_dma source(%dma_start3A_25 : memref<32x128xf32, #tpu.memory_space<hbm>>) target(%dma_start3A_23 : memref<32x128xf32, #tpu.memory_space<vmem>>) target_semaphore(%arg8 : memref<!tpu.dma_semaphore, #tpu.memory_space<semaphore_mem>>)
      %slice3A_26 = vector.extract_strided_slice %get3A_11 {offsets = [1], sizes = [1], strides = [1]} : vector<16xi32> to vector<1xi32>
      %squeeze3A_27 = vector.extract %slice3A_26[0] : i32 from vector<1xi32>
      %not3A_28 = arith.constant 127 : i32
      %not3A_29 = arith.constant -1 : i32
      %not3A_30 = arith.xori %not3A_28, %not3A_29 : i32
      %and3A_31 = arith.andi %squeeze3A_27, %not3A_30 : i32
      %multiple_of3A_32 = tpu.assume_multiple %and3A_31, 128 : i32
      %dma_start3A_33 = arith.constant 1 : i32
      %dma_start3A_34 = arith.constant 0 : i32
      %dma_start3A_35 = arith.constant 0 : i32
      %dma_start3A_36 = tpu.memref_slice %arg6[%dma_start3A_33, %dma_start3A_34, %dma_start3A_35] : memref<16x32x128xf32, #tpu.memory_space<vmem>> -> memref<1x32x128xf32, #tpu.memory_space<vmem>>
      %dma_start3A_37 = tpu.memref_squeeze %dma_start3A_36 : memref<1x32x128xf32, #tpu.memory_space<vmem>> -> memref<32x128xf32, #tpu.memory_space<vmem>>
      %dma_start3A_38 = arith.constant 0 : i32
      %dma_start3A_39 = tpu.memref_slice %arg3[%dma_start3A_38, %multiple_of3A_32] : memref<32x1000000xf32, #tpu.memory_space<hbm>> -> memref<32x128xf32, #tpu.memory_space<hbm>>
      %dma_start3A_40 = arith.constant 0 : i32
      %dma_start3A_41 = arith.constant 0 : i32
      %dma_start3A_42 = tpu.memref_slice %arg6[%dma_start3A_33, %dma_start3A_40, %dma_start3A_41] : memref<16x32x128xf32, #tpu.memory_space<vmem>> -> memref<1x32x128xf32, #tpu.memory_space<vmem>>
      %dma_start3A_43 = tpu.memref_squeeze %dma_start3A_42 : memref<1x32x128xf32, #tpu.memory_space<vmem>> -> memref<32x128xf32, #tpu.memory_space<vmem>>
      %dma_start3A_44 = arith.constant 0 : i32
      %dma_start3A_45 = tpu.memref_slice %arg3[%dma_start3A_44, %multiple_of3A_32] : memref<32x1000000xf32, #tpu.memory_space<hbm>> -> memref<32x128xf32, #tpu.memory_space<hbm>>
      tpu.enqueue_dma source(%dma_start3A_45 : memref<32x128xf32, #tpu.memory_space<hbm>>) target(%dma_start3A_43 : memref<32x128xf32, #tpu.memory_space<vmem>>) target_semaphore(%arg8 : memref<!tpu.dma_semaphore, #tpu.memory_space<semaphore_mem>>)
      %slice3A_46 = vector.extract_strided_slice %get3A_11 {offsets = [2], sizes = [1], strides = [1]} : vector<16xi32> to vector<1xi32>
      %squeeze3A_47 = vector.extract %slice3A_46[0] : i32 from vector<1xi32>
      %not3A_48 = arith.constant 127 : i32
      %not3A_49 = arith.constant -1 : i32
      %not3A_50 = arith.xori %not3A_48, %not3A_49 : i32
      %and3A_51 = arith.andi %squeeze3A_47, %not3A_50 : i32
      %multiple_of3A_52 = tpu.assume_multiple %and3A_51, 128 : i32
      %dma_start3A_53 = arith.constant 2 : i32
      %dma_start3A_54 = arith.constant 0 : i32
      %dma_start3A_55 = arith.constant 0 : i32
      %dma_start3A_56 = tpu.memref_slice %arg6[%dma_start3A_53, %dma_start3A_54, %dma_start3A_55] : memref<16x32x128xf32, #tpu.memory_space<vmem>> -> memref<1x32x128xf32, #tpu.memory_space<vmem>>
      %dma_start3A_57 = tpu.memref_squeeze %dma_start3A_56 : memref<1x32x128xf32, #tpu.memory_space<vmem>> -> memref<32x128xf32, #tpu.memory_space<vmem>>
      %dma_start3A_58 = arith.constant 0 : i32
      %dma_start3A_59 = tpu.memref_slice %arg3[%dma_start3A_58, %multiple_of3A_52] : memref<32x1000000xf32, #tpu.memory_space<hbm>> -> memref<32x128xf32, #tpu.memory_space<hbm>>
      %dma_start3A_60 = arith.constant 0 : i32
      %dma_start3A_61 = arith.constant 0 : i32
      %dma_start3A_62 = tpu.memref_slice %arg6[%dma_start3A_53, %dma_start3A_60, %dma_start3A_61] : memref<16x32x128xf32, #tpu.memory_space<vmem>> -> memref<1x32x128xf32, #tpu.memory_space<vmem>>
      %dma_start3A_63 = tpu.memref_squeeze %dma_start3A_62 : memref<1x32x128xf32, #tpu.memory_space<vmem>> -> memref<32x128xf32, #tpu.memory_space<vmem>>
      %dma_start3A_64 = arith.constant 0 : i32
      %dma_start3A_65 = tpu.memref_slice %arg3[%dma_start3A_64, %multiple_of3A_52] : memref<32x1000000xf32, #tpu.memory_space<hbm>> -> memref<32x128xf32, #tpu.memory_space<hbm>>
      tpu.enqueue_dma source(%dma_start3A_65 : memref<32x128xf32, #tpu.memory_space<hbm>>) target(%dma_start3A_63 : memref<32x128xf32, #tpu.memory_space<vmem>>) target_semaphore(%arg8 : memref<!tpu.dma_semaphore, #tpu.memory_space<semaphore_mem>>)
      %slice3A_66 = vector.extract_strided_slice %get3A_11 {offsets = [3], sizes = [1], strides = [1]} : vector<16xi32> to vector<1xi32>
      %squeeze3A_67 = vector.extract %slice3A_66[0] : i32 from vector<1xi32>
      %not3A_68 = arith.constant 127 : i32
      %not3A_69 = arith.constant -1 : i32
      %not3A_70 = arith.xori %not3A_68, %not3A_69 : i32
      %and3A_71 = arith.andi %squeeze3A_67, %not3A_70 : i32
      %multiple_of3A_72 = tpu.assume_multiple %and3A_71, 128 : i32
      %dma_start3A_73 = arith.constant 3 : i32
      %dma_start3A_74 = arith.constant 0 : i32
      %dma_start3A_75 = arith.constant 0 : i32
      %dma_start3A_76 = tpu.memref_slice %arg6[%dma_start3A_73, %dma_start3A_74, %dma_start3A_75] : memref<16x32x128xf32, #tpu.memory_space<vmem>> -> memref<1x32x128xf32, #tpu.memory_space<vmem>>
      %dma_start3A_77 = tpu.memref_squeeze %dma_start3A_76 : memref<1x32x128xf32, #tpu.memory_space<vmem>> -> memref<32x128xf32, #tpu.memory_space<vmem>>
      %dma_start3A_78 = arith.constant 0 : i32
      %dma_start3A_79 = tpu.memref_slice %arg3[%dma_start3A_78, %multiple_of3A_72] : memref<32x1000000xf32, #tpu.memory_space<hbm>> -> memref<32x128xf32, #tpu.memory_space<hbm>>
      %dma_start3A_80 = arith.constant 0 : i32
      %dma_start3A_81 = arith.constant 0 : i32
      %dma_start3A_82 = tpu.memref_slice %arg6[%dma_start3A_73, %dma_start3A_80, %dma_start3A_81] : memref<16x32x128xf32, #tpu.memory_space<vmem>> -> memref<1x32x128xf32, #tpu.memory_space<vmem>>
      %dma_start3A_83 = tpu.memref_squeeze %dma_start3A_82 : memref<1x32x128xf32, #tpu.memory_space<vmem>> -> memref<32x128xf32, #tpu.memory_space<vmem>>
      %dma_start3A_84 = arith.constant 0 : i32
      %dma_start3A_85 = tpu.memref_slice %arg3[%dma_start3A_84, %multiple_of3A_72] : memref<32x1000000xf32, #tpu.memory_space<hbm>> -> memref<32x128xf32, #tpu.memory_space<hbm>>
      tpu.enqueue_dma source(%dma_start3A_85 : memref<32x128xf32, #tpu.memory_space<hbm>>) target(%dma_start3A_83 : memref<32x128xf32, #tpu.memory_space<vmem>>) target_semaphore(%arg8 : memref<!tpu.dma_semaphore, #tpu.memory_space<semaphore_mem>>)
      %slice3A_86 = vector.extract_strided_slice %get3A_11 {offsets = [4], sizes = [1], strides = [1]} : vector<16xi32> to vector<1xi32>
      %squeeze3A_87 = vector.extract %slice3A_86[0] : i32 from vector<1xi32>
      %not3A_88 = arith.constant 127 : i32
      %not3A_89 = arith.constant -1 : i32
      %not3A_90 = arith.xori %not3A_88, %not3A_89 : i32
      %and3A_91 = arith.andi %squeeze3A_87, %not3A_90 : i32
      %multiple_of3A_92 = tpu.assume_multiple %and3A_91, 128 : i32
      %dma_start3A_93 = arith.constant 4 : i32
      %dma_start3A_94 = arith.constant 0 : i32
      %dma_start3A_95 = arith.constant 0 : i32
      %dma_start3A_96 = tpu.memref_slice %arg6[%dma_start3A_93, %dma_start3A_94, %dma_start3A_95] : memref<16x32x128xf32, #tpu.memory_space<vmem>> -> memref<1x32x128xf32, #tpu.memory_space<vmem>>
      %dma_start3A_97 = tpu.memref_squeeze %dma_start3A_96 : memref<1x32x128xf32, #tpu.memory_space<vmem>> -> memref<32x128xf32, #tpu.memory_space<vmem>>
      %dma_start3A_98 = arith.constant 0 : i32
      %dma_start3A_99 = tpu.memref_slice %arg3[%dma_start3A_98, %multiple_of3A_92] : memref<32x1000000xf32, #tpu.memory_space<hbm>> -> memref<32x128xf32, #tpu.memory_space<hbm>>
      %dma_start3A_100 = arith.constant 0 : i32
      %dma_start3A_101 = arith.constant 0 : i32
      %dma_start3A_102 = tpu.memref_slice %arg6[%dma_start3A_93, %dma_start3A_100, %dma_start3A_101] : memref<16x32x128xf32, #tpu.memory_space<vmem>> -> memref<1x32x128xf32, #tpu.memory_space<vmem>>
      %dma_start3A_103 = tpu.memref_squeeze %dma_start3A_102 : memref<1x32x128xf32, #tpu.memory_space<vmem>> -> memref<32x128xf32, #tpu.memory_space<vmem>>
      %dma_start3A_104 = arith.constant 0 : i32
      %dma_start3A_105 = tpu.memref_slice %arg3[%dma_start3A_104, %multiple_of3A_92] : memref<32x1000000xf32, #tpu.memory_space<hbm>> -> memref<32x128xf32, #tpu.memory_space<hbm>>
      tpu.enqueue_dma source(%dma_start3A_105 : memref<32x128xf32, #tpu.memory_space<hbm>>) target(%dma_start3A_103 : memref<32x128xf32, #tpu.memory_space<vmem>>) target_semaphore(%arg8 : memref<!tpu.dma_semaphore, #tpu.memory_space<semaphore_mem>>)
      %slice3A_106 = vector.extract_strided_slice %get3A_11 {offsets = [5], sizes = [1], strides = [1]} : vector<16xi32> to vector<1xi32>
      %squeeze3A_107 = vector.extract %slice3A_106[0] : i32 from vector<1xi32>
      %not3A_108 = arith.constant 127 : i32
      %not3A_109 = arith.constant -1 : i32
      %not3A_110 = arith.xori %not3A_108, %not3A_109 : i32
      %and3A_111 = arith.andi %squeeze3A_107, %not3A_110 : i32
      %multiple_of3A_112 = tpu.assume_multiple %and3A_111, 128 : i32
      %dma_start3A_113 = arith.constant 5 : i32
      %dma_start3A_114 = arith.constant 0 : i32
      %dma_start3A_115 = arith.constant 0 : i32
      %dma_start3A_116 = tpu.memref_slice %arg6[%dma_start3A_113, %dma_start3A_114, %dma_start3A_115] : memref<16x32x128xf32, #tpu.memory_space<vmem>> -> memref<1x32x128xf32, #tpu.memory_space<vmem>>
      %dma_start3A_117 = tpu.memref_squeeze %dma_start3A_116 : memref<1x32x128xf32, #tpu.memory_space<vmem>> -> memref<32x128xf32, #tpu.memory_space<vmem>>
      %dma_start3A_118 = arith.constant 0 : i32
      %dma_start3A_119 = tpu.memref_slice %arg3[%dma_start3A_118, %multiple_of3A_112] : memref<32x1000000xf32, #tpu.memory_space<hbm>> -> memref<32x128xf32, #tpu.memory_space<hbm>>
      %dma_start3A_120 = arith.constant 0 : i32
      %dma_start3A_121 = arith.constant 0 : i32
      %dma_start3A_122 = tpu.memref_slice %arg6[%dma_start3A_113, %dma_start3A_120, %dma_start3A_121] : memref<16x32x128xf32, #tpu.memory_space<vmem>> -> memref<1x32x128xf32, #tpu.memory_space<vmem>>
      %dma_start3A_123 = tpu.memref_squeeze %dma_start3A_122 : memref<1x32x128xf32, #tpu.memory_space<vmem>> -> memref<32x128xf32, #tpu.memory_space<vmem>>
      %dma_start3A_124 = arith.constant 0 : i32
      %dma_start3A_125 = tpu.memref_slice %arg3[%dma_start3A_124, %multiple_of3A_112] : memref<32x1000000xf32, #tpu.memory_space<hbm>> -> memref<32x128xf32, #tpu.memory_space<hbm>>
      tpu.enqueue_dma source(%dma_start3A_125 : memref<32x128xf32, #tpu.memory_space<hbm>>) target(%dma_start3A_123 : memref<32x128xf32, #tpu.memory_space<vmem>>) target_semaphore(%arg8 : memref<!tpu.dma_semaphore, #tpu.memory_space<semaphore_mem>>)
      %slice3A_126 = vector.extract_strided_slice %get3A_11 {offsets = [6], sizes = [1], strides = [1]} : vector<16xi32> to vector<1xi32>
      %squeeze3A_127 = vector.extract %slice3A_126[0] : i32 from vector<1xi32>
      %not3A_128 = arith.constant 127 : i32
      %not3A_129 = arith.constant -1 : i32
      %not3A_130 = arith.xori %not3A_128, %not3A_129 : i32
      %and3A_131 = arith.andi %squeeze3A_127, %not3A_130 : i32
      %multiple_of3A_132 = tpu.assume_multiple %and3A_131, 128 : i32
      %dma_start3A_133 = arith.constant 6 : i32
      %dma_start3A_134 = arith.constant 0 : i32
      %dma_start3A_135 = arith.constant 0 : i32
      %dma_start3A_136 = tpu.memref_slice %arg6[%dma_start3A_133, %dma_start3A_134, %dma_start3A_135] : memref<16x32x128xf32, #tpu.memory_space<vmem>> -> memref<1x32x128xf32, #tpu.memory_space<vmem>>
      %dma_start3A_137 = tpu.memref_squeeze %dma_start3A_136 : memref<1x32x128xf32, #tpu.memory_space<vmem>> -> memref<32x128xf32, #tpu.memory_space<vmem>>
      %dma_start3A_138 = arith.constant 0 : i32
      %dma_start3A_139 = tpu.memref_slice %arg3[%dma_start3A_138, %multiple_of3A_132] : memref<32x1000000xf32, #tpu.memory_space<hbm>> -> memref<32x128xf32, #tpu.memory_space<hbm>>
      %dma_start3A_140 = arith.constant 0 : i32
      %dma_start3A_141 = arith.constant 0 : i32
      %dma_start3A_142 = tpu.memref_slice %arg6[%dma_start3A_133, %dma_start3A_140, %dma_start3A_141] : memref<16x32x128xf32, #tpu.memory_space<vmem>> -> memref<1x32x128xf32, #tpu.memory_space<vmem>>
      %dma_start3A_143 = tpu.memref_squeeze %dma_start3A_142 : memref<1x32x128xf32, #tpu.memory_space<vmem>> -> memref<32x128xf32, #tpu.memory_space<vmem>>
      %dma_start3A_144 = arith.constant 0 : i32
      %dma_start3A_145 = tpu.memref_slice %arg3[%dma_start3A_144, %multiple_of3A_132] : memref<32x1000000xf32, #tpu.memory_space<hbm>> -> memref<32x128xf32, #tpu.memory_space<hbm>>
      tpu.enqueue_dma source(%dma_start3A_145 : memref<32x128xf32, #tpu.memory_space<hbm>>) target(%dma_start3A_143 : memref<32x128xf32, #tpu.memory_space<vmem>>) target_semaphore(%arg8 : memref<!tpu.dma_semaphore, #tpu.memory_space<semaphore_mem>>)
      %slice3A_146 = vector.extract_strided_slice %get3A_11 {offsets = [7], sizes = [1], strides = [1]} : vector<16xi32> to vector<1xi32>
      %squeeze3A_147 = vector.extract %slice3A_146[0] : i32 from vector<1xi32>
      %not3A_148 = arith.constant 127 : i32
      %not3A_149 = arith.constant -1 : i32
      %not3A_150 = arith.xori %not3A_148, %not3A_149 : i32
      %and3A_151 = arith.andi %squeeze3A_147, %not3A_150 : i32
      %multiple_of3A_152 = tpu.assume_multiple %and3A_151, 128 : i32
      %dma_start3A_153 = arith.constant 7 : i32
      %dma_start3A_154 = arith.constant 0 : i32
      %dma_start3A_155 = arith.constant 0 : i32
      %dma_start3A_156 = tpu.memref_slice %arg6[%dma_start3A_153, %dma_start3A_154, %dma_start3A_155] : memref<16x32x128xf32, #tpu.memory_space<vmem>> -> memref<1x32x128xf32, #tpu.memory_space<vmem>>
      %dma_start3A_157 = tpu.memref_squeeze %dma_start3A_156 : memref<1x32x128xf32, #tpu.memory_space<vmem>> -> memref<32x128xf32, #tpu.memory_space<vmem>>
      %dma_start3A_158 = arith.constant 0 : i32
      %dma_start3A_159 = tpu.memref_slice %arg3[%dma_start3A_158, %multiple_of3A_152] : memref<32x1000000xf32, #tpu.memory_space<hbm>> -> memref<32x128xf32, #tpu.memory_space<hbm>>
      %dma_start3A_160 = arith.constant 0 : i32
      %dma_start3A_161 = arith.constant 0 : i32
      %dma_start3A_162 = tpu.memref_slice %arg6[%dma_start3A_153, %dma_start3A_160, %dma_start3A_161] : memref<16x32x128xf32, #tpu.memory_space<vmem>> -> memref<1x32x128xf32, #tpu.memory_space<vmem>>
      %dma_start3A_163 = tpu.memref_squeeze %dma_start3A_162 : memref<1x32x128xf32, #tpu.memory_space<vmem>> -> memref<32x128xf32, #tpu.memory_space<vmem>>
      %dma_start3A_164 = arith.constant 0 : i32
      %dma_start3A_165 = tpu.memref_slice %arg3[%dma_start3A_164, %multiple_of3A_152] : memref<32x1000000xf32, #tpu.memory_space<hbm>> -> memref<32x128xf32, #tpu.memory_space<hbm>>
      tpu.enqueue_dma source(%dma_start3A_165 : memref<32x128xf32, #tpu.memory_space<hbm>>) target(%dma_start3A_163 : memref<32x128xf32, #tpu.memory_space<vmem>>) target_semaphore(%arg8 : memref<!tpu.dma_semaphore, #tpu.memory_space<semaphore_mem>>)
      %slice3A_166 = vector.extract_strided_slice %get3A_11 {offsets = [8], sizes = [1], strides = [1]} : vector<16xi32> to vector<1xi32>
      %squeeze3A_167 = vector.extract %slice3A_166[0] : i32 from vector<1xi32>
      %not3A_168 = arith.constant 127 : i32
      %not3A_169 = arith.constant -1 : i32
      %not3A_170 = arith.xori %not3A_168, %not3A_169 : i32
      %and3A_171 = arith.andi %squeeze3A_167, %not3A_170 : i32
      %multiple_of3A_172 = tpu.assume_multiple %and3A_171, 128 : i32
      %dma_start3A_173 = arith.constant 8 : i32
      %dma_start3A_174 = arith.constant 0 : i32
      %dma_start3A_175 = arith.constant 0 : i32
      %dma_start3A_176 = tpu.memref_slice %arg6[%dma_start3A_173, %dma_start3A_174, %dma_start3A_175] : memref<16x32x128xf32, #tpu.memory_space<vmem>> -> memref<1x32x128xf32, #tpu.memory_space<vmem>>
      %dma_start3A_177 = tpu.memref_squeeze %dma_start3A_176 : memref<1x32x128xf32, #tpu.memory_space<vmem>> -> memref<32x128xf32, #tpu.memory_space<vmem>>
      %dma_start3A_178 = arith.constant 0 : i32
      %dma_start3A_179 = tpu.memref_slice %arg3[%dma_start3A_178, %multiple_of3A_172] : memref<32x1000000xf32, #tpu.memory_space<hbm>> -> memref<32x128xf32, #tpu.memory_space<hbm>>
      %dma_start3A_180 = arith.constant 0 : i32
      %dma_start3A_181 = arith.constant 0 : i32
      %dma_start3A_182 = tpu.memref_slice %arg6[%dma_start3A_173, %dma_start3A_180, %dma_start3A_181] : memref<16x32x128xf32, #tpu.memory_space<vmem>> -> memref<1x32x128xf32, #tpu.memory_space<vmem>>
      %dma_start3A_183 = tpu.memref_squeeze %dma_start3A_182 : memref<1x32x128xf32, #tpu.memory_space<vmem>> -> memref<32x128xf32, #tpu.memory_space<vmem>>
      %dma_start3A_184 = arith.constant 0 : i32
      %dma_start3A_185 = tpu.memref_slice %arg3[%dma_start3A_184, %multiple_of3A_172] : memref<32x1000000xf32, #tpu.memory_space<hbm>> -> memref<32x128xf32, #tpu.memory_space<hbm>>
      tpu.enqueue_dma source(%dma_start3A_185 : memref<32x128xf32, #tpu.memory_space<hbm>>) target(%dma_start3A_183 : memref<32x128xf32, #tpu.memory_space<vmem>>) target_semaphore(%arg8 : memref<!tpu.dma_semaphore, #tpu.memory_space<semaphore_mem>>)
      %slice3A_186 = vector.extract_strided_slice %get3A_11 {offsets = [9], sizes = [1], strides = [1]} : vector<16xi32> to vector<1xi32>
      %squeeze3A_187 = vector.extract %slice3A_186[0] : i32 from vector<1xi32>
      %not3A_188 = arith.constant 127 : i32
      %not3A_189 = arith.constant -1 : i32
      %not3A_190 = arith.xori %not3A_188, %not3A_189 : i32
      %and3A_191 = arith.andi %squeeze3A_187, %not3A_190 : i32
      %multiple_of3A_192 = tpu.assume_multiple %and3A_191, 128 : i32
      %dma_start3A_193 = arith.constant 9 : i32
      %dma_start3A_194 = arith.constant 0 : i32
      %dma_start3A_195 = arith.constant 0 : i32
      %dma_start3A_196 = tpu.memref_slice %arg6[%dma_start3A_193, %dma_start3A_194, %dma_start3A_195] : memref<16x32x128xf32, #tpu.memory_space<vmem>> -> memref<1x32x128xf32, #tpu.memory_space<vmem>>
      %dma_start3A_197 = tpu.memref_squeeze %dma_start3A_196 : memref<1x32x128xf32, #tpu.memory_space<vmem>> -> memref<32x128xf32, #tpu.memory_space<vmem>>
      %dma_start3A_198 = arith.constant 0 : i32
      %dma_start3A_199 = tpu.memref_slice %arg3[%dma_start3A_198, %multiple_of3A_192] : memref<32x1000000xf32, #tpu.memory_space<hbm>> -> memref<32x128xf32, #tpu.memory_space<hbm>>
      %dma_start3A_200 = arith.constant 0 : i32
      %dma_start3A_201 = arith.constant 0 : i32
      %dma_start3A_202 = tpu.memref_slice %arg6[%dma_start3A_193, %dma_start3A_200, %dma_start3A_201] : memref<16x32x128xf32, #tpu.memory_space<vmem>> -> memref<1x32x128xf32, #tpu.memory_space<vmem>>
      %dma_start3A_203 = tpu.memref_squeeze %dma_start3A_202 : memref<1x32x128xf32, #tpu.memory_space<vmem>> -> memref<32x128xf32, #tpu.memory_space<vmem>>
      %dma_start3A_204 = arith.constant 0 : i32
      %dma_start3A_205 = tpu.memref_slice %arg3[%dma_start3A_204, %multiple_of3A_192] : memref<32x1000000xf32, #tpu.memory_space<hbm>> -> memref<32x128xf32, #tpu.memory_space<hbm>>
      tpu.enqueue_dma source(%dma_start3A_205 : memref<32x128xf32, #tpu.memory_space<hbm>>) target(%dma_start3A_203 : memref<32x128xf32, #tpu.memory_space<vmem>>) target_semaphore(%arg8 : memref<!tpu.dma_semaphore, #tpu.memory_space<semaphore_mem>>)
      %slice3A_206 = vector.extract_strided_slice %get3A_11 {offsets = [10], sizes = [1], strides = [1]} : vector<16xi32> to vector<1xi32>
      %squeeze3A_207 = vector.extract %slice3A_206[0] : i32 from vector<1xi32>
      %not3A_208 = arith.constant 127 : i32
      %not3A_209 = arith.constant -1 : i32
      %not3A_210 = arith.xori %not3A_208, %not3A_209 : i32
      %and3A_211 = arith.andi %squeeze3A_207, %not3A_210 : i32
      %multiple_of3A_212 = tpu.assume_multiple %and3A_211, 128 : i32
      %dma_start3A_213 = arith.constant 10 : i32
      %dma_start3A_214 = arith.constant 0 : i32
      %dma_start3A_215 = arith.constant 0 : i32
      %dma_start3A_216 = tpu.memref_slice %arg6[%dma_start3A_213, %dma_start3A_214, %dma_start3A_215] : memref<16x32x128xf32, #tpu.memory_space<vmem>> -> memref<1x32x128xf32, #tpu.memory_space<vmem>>
      %dma_start3A_217 = tpu.memref_squeeze %dma_start3A_216 : memref<1x32x128xf32, #tpu.memory_space<vmem>> -> memref<32x128xf32, #tpu.memory_space<vmem>>
      %dma_start3A_218 = arith.constant 0 : i32
      %dma_start3A_219 = tpu.memref_slice %arg3[%dma_start3A_218, %multiple_of3A_212] : memref<32x1000000xf32, #tpu.memory_space<hbm>> -> memref<32x128xf32, #tpu.memory_space<hbm>>
      %dma_start3A_220 = arith.constant 0 : i32
      %dma_start3A_221 = arith.constant 0 : i32
      %dma_start3A_222 = tpu.memref_slice %arg6[%dma_start3A_213, %dma_start3A_220, %dma_start3A_221] : memref<16x32x128xf32, #tpu.memory_space<vmem>> -> memref<1x32x128xf32, #tpu.memory_space<vmem>>
      %dma_start3A_223 = tpu.memref_squeeze %dma_start3A_222 : memref<1x32x128xf32, #tpu.memory_space<vmem>> -> memref<32x128xf32, #tpu.memory_space<vmem>>
      %dma_start3A_224 = arith.constant 0 : i32
      %dma_start3A_225 = tpu.memref_slice %arg3[%dma_start3A_224, %multiple_of3A_212] : memref<32x1000000xf32, #tpu.memory_space<hbm>> -> memref<32x128xf32, #tpu.memory_space<hbm>>
      tpu.enqueue_dma source(%dma_start3A_225 : memref<32x128xf32, #tpu.memory_space<hbm>>) target(%dma_start3A_223 : memref<32x128xf32, #tpu.memory_space<vmem>>) target_semaphore(%arg8 : memref<!tpu.dma_semaphore, #tpu.memory_space<semaphore_mem>>)
      %slice3A_226 = vector.extract_strided_slice %get3A_11 {offsets = [11], sizes = [1], strides = [1]} : vector<16xi32> to vector<1xi32>
      %squeeze3A_227 = vector.extract %slice3A_226[0] : i32 from vector<1xi32>
      %not3A_228 = arith.constant 127 : i32
      %not3A_229 = arith.constant -1 : i32
      %not3A_230 = arith.xori %not3A_228, %not3A_229 : i32
      %and3A_231 = arith.andi %squeeze3A_227, %not3A_230 : i32
      %multiple_of3A_232 = tpu.assume_multiple %and3A_231, 128 : i32
      %dma_start3A_233 = arith.constant 11 : i32
      %dma_start3A_234 = arith.constant 0 : i32
      %dma_start3A_235 = arith.constant 0 : i32
      %dma_start3A_236 = tpu.memref_slice %arg6[%dma_start3A_233, %dma_start3A_234, %dma_start3A_235] : memref<16x32x128xf32, #tpu.memory_space<vmem>> -> memref<1x32x128xf32, #tpu.memory_space<vmem>>
      %dma_start3A_237 = tpu.memref_squeeze %dma_start3A_236 : memref<1x32x128xf32, #tpu.memory_space<vmem>> -> memref<32x128xf32, #tpu.memory_space<vmem>>
      %dma_start3A_238 = arith.constant 0 : i32
      %dma_start3A_239 = tpu.memref_slice %arg3[%dma_start3A_238, %multiple_of3A_232] : memref<32x1000000xf32, #tpu.memory_space<hbm>> -> memref<32x128xf32, #tpu.memory_space<hbm>>
      %dma_start3A_240 = arith.constant 0 : i32
      %dma_start3A_241 = arith.constant 0 : i32
      %dma_start3A_242 = tpu.memref_slice %arg6[%dma_start3A_233, %dma_start3A_240, %dma_start3A_241] : memref<16x32x128xf32, #tpu.memory_space<vmem>> -> memref<1x32x128xf32, #tpu.memory_space<vmem>>
      %dma_start3A_243 = tpu.memref_squeeze %dma_start3A_242 : memref<1x32x128xf32, #tpu.memory_space<vmem>> -> memref<32x128xf32, #tpu.memory_space<vmem>>
      %dma_start3A_244 = arith.constant 0 : i32
      %dma_start3A_245 = tpu.memref_slice %arg3[%dma_start3A_244, %multiple_of3A_232] : memref<32x1000000xf32, #tpu.memory_space<hbm>> -> memref<32x128xf32, #tpu.memory_space<hbm>>
      tpu.enqueue_dma source(%dma_start3A_245 : memref<32x128xf32, #tpu.memory_space<hbm>>) target(%dma_start3A_243 : memref<32x128xf32, #tpu.memory_space<vmem>>) target_semaphore(%arg8 : memref<!tpu.dma_semaphore, #tpu.memory_space<semaphore_mem>>)
      %slice3A_246 = vector.extract_strided_slice %get3A_11 {offsets = [12], sizes = [1], strides = [1]} : vector<16xi32> to vector<1xi32>
      %squeeze3A_247 = vector.extract %slice3A_246[0] : i32 from vector<1xi32>
      %not3A_248 = arith.constant 127 : i32
      %not3A_249 = arith.constant -1 : i32
      %not3A_250 = arith.xori %not3A_248, %not3A_249 : i32
      %and3A_251 = arith.andi %squeeze3A_247, %not3A_250 : i32
      %multiple_of3A_252 = tpu.assume_multiple %and3A_251, 128 : i32
      %dma_start3A_253 = arith.constant 12 : i32
      %dma_start3A_254 = arith.constant 0 : i32
      %dma_start3A_255 = arith.constant 0 : i32
      %dma_start3A_256 = tpu.memref_slice %arg6[%dma_start3A_253, %dma_start3A_254, %dma_start3A_255] : memref<16x32x128xf32, #tpu.memory_space<vmem>> -> memref<1x32x128xf32, #tpu.memory_space<vmem>>
      %dma_start3A_257 = tpu.memref_squeeze %dma_start3A_256 : memref<1x32x128xf32, #tpu.memory_space<vmem>> -> memref<32x128xf32, #tpu.memory_space<vmem>>
      %dma_start3A_258 = arith.constant 0 : i32
      %dma_start3A_259 = tpu.memref_slice %arg3[%dma_start3A_258, %multiple_of3A_252] : memref<32x1000000xf32, #tpu.memory_space<hbm>> -> memref<32x128xf32, #tpu.memory_space<hbm>>
      %dma_start3A_260 = arith.constant 0 : i32
      %dma_start3A_261 = arith.constant 0 : i32
      %dma_start3A_262 = tpu.memref_slice %arg6[%dma_start3A_253, %dma_start3A_260, %dma_start3A_261] : memref<16x32x128xf32, #tpu.memory_space<vmem>> -> memref<1x32x128xf32, #tpu.memory_space<vmem>>
      %dma_start3A_263 = tpu.memref_squeeze %dma_start3A_262 : memref<1x32x128xf32, #tpu.memory_space<vmem>> -> memref<32x128xf32, #tpu.memory_space<vmem>>
      %dma_start3A_264 = arith.constant 0 : i32
      %dma_start3A_265 = tpu.memref_slice %arg3[%dma_start3A_264, %multiple_of3A_252] : memref<32x1000000xf32, #tpu.memory_space<hbm>> -> memref<32x128xf32, #tpu.memory_space<hbm>>
      tpu.enqueue_dma source(%dma_start3A_265 : memref<32x128xf32, #tpu.memory_space<hbm>>) target(%dma_start3A_263 : memref<32x128xf32, #tpu.memory_space<vmem>>) target_semaphore(%arg8 : memref<!tpu.dma_semaphore, #tpu.memory_space<semaphore_mem>>)
      %slice3A_266 = vector.extract_strided_slice %get3A_11 {offsets = [13], sizes = [1], strides = [1]} : vector<16xi32> to vector<1xi32>
      %squeeze3A_267 = vector.extract %slice3A_266[0] : i32 from vector<1xi32>
      %not3A_268 = arith.constant 127 : i32
      %not3A_269 = arith.constant -1 : i32
      %not3A_270 = arith.xori %not3A_268, %not3A_269 : i32
      %and3A_271 = arith.andi %squeeze3A_267, %not3A_270 : i32
      %multiple_of3A_272 = tpu.assume_multiple %and3A_271, 128 : i32
      %dma_start3A_273 = arith.constant 13 : i32
      %dma_start3A_274 = arith.constant 0 : i32
      %dma_start3A_275 = arith.constant 0 : i32
      %dma_start3A_276 = tpu.memref_slice %arg6[%dma_start3A_273, %dma_start3A_274, %dma_start3A_275] : memref<16x32x128xf32, #tpu.memory_space<vmem>> -> memref<1x32x128xf32, #tpu.memory_space<vmem>>
      %dma_start3A_277 = tpu.memref_squeeze %dma_start3A_276 : memref<1x32x128xf32, #tpu.memory_space<vmem>> -> memref<32x128xf32, #tpu.memory_space<vmem>>
      %dma_start3A_278 = arith.constant 0 : i32
      %dma_start3A_279 = tpu.memref_slice %arg3[%dma_start3A_278, %multiple_of3A_272] : memref<32x1000000xf32, #tpu.memory_space<hbm>> -> memref<32x128xf32, #tpu.memory_space<hbm>>
      %dma_start3A_280 = arith.constant 0 : i32
      %dma_start3A_281 = arith.constant 0 : i32
      %dma_start3A_282 = tpu.memref_slice %arg6[%dma_start3A_273, %dma_start3A_280, %dma_start3A_281] : memref<16x32x128xf32, #tpu.memory_space<vmem>> -> memref<1x32x128xf32, #tpu.memory_space<vmem>>
      %dma_start3A_283 = tpu.memref_squeeze %dma_start3A_282 : memref<1x32x128xf32, #tpu.memory_space<vmem>> -> memref<32x128xf32, #tpu.memory_space<vmem>>
      %dma_start3A_284 = arith.constant 0 : i32
      %dma_start3A_285 = tpu.memref_slice %arg3[%dma_start3A_284, %multiple_of3A_272] : memref<32x1000000xf32, #tpu.memory_space<hbm>> -> memref<32x128xf32, #tpu.memory_space<hbm>>
      tpu.enqueue_dma source(%dma_start3A_285 : memref<32x128xf32, #tpu.memory_space<hbm>>) target(%dma_start3A_283 : memref<32x128xf32, #tpu.memory_space<vmem>>) target_semaphore(%arg8 : memref<!tpu.dma_semaphore, #tpu.memory_space<semaphore_mem>>)
      %slice3A_286 = vector.extract_strided_slice %get3A_11 {offsets = [14], sizes = [1], strides = [1]} : vector<16xi32> to vector<1xi32>
      %squeeze3A_287 = vector.extract %slice3A_286[0] : i32 from vector<1xi32>
      %not3A_288 = arith.constant 127 : i32
      %not3A_289 = arith.constant -1 : i32
      %not3A_290 = arith.xori %not3A_288, %not3A_289 : i32
      %and3A_291 = arith.andi %squeeze3A_287, %not3A_290 : i32
      %multiple_of3A_292 = tpu.assume_multiple %and3A_291, 128 : i32
      %dma_start3A_293 = arith.constant 14 : i32
      %dma_start3A_294 = arith.constant 0 : i32
      %dma_start3A_295 = arith.constant 0 : i32
      %dma_start3A_296 = tpu.memref_slice %arg6[%dma_start3A_293, %dma_start3A_294, %dma_start3A_295] : memref<16x32x128xf32, #tpu.memory_space<vmem>> -> memref<1x32x128xf32, #tpu.memory_space<vmem>>
      %dma_start3A_297 = tpu.memref_squeeze %dma_start3A_296 : memref<1x32x128xf32, #tpu.memory_space<vmem>> -> memref<32x128xf32, #tpu.memory_space<vmem>>
      %dma_start3A_298 = arith.constant 0 : i32
      %dma_start3A_299 = tpu.memref_slice %arg3[%dma_start3A_298, %multiple_of3A_292] : memref<32x1000000xf32, #tpu.memory_space<hbm>> -> memref<32x128xf32, #tpu.memory_space<hbm>>
      %dma_start3A_300 = arith.constant 0 : i32
      %dma_start3A_301 = arith.constant 0 : i32
      %dma_start3A_302 = tpu.memref_slice %arg6[%dma_start3A_293, %dma_start3A_300, %dma_start3A_301] : memref<16x32x128xf32, #tpu.memory_space<vmem>> -> memref<1x32x128xf32, #tpu.memory_space<vmem>>
      %dma_start3A_303 = tpu.memref_squeeze %dma_start3A_302 : memref<1x32x128xf32, #tpu.memory_space<vmem>> -> memref<32x128xf32, #tpu.memory_space<vmem>>
      %dma_start3A_304 = arith.constant 0 : i32
      %dma_start3A_305 = tpu.memref_slice %arg3[%dma_start3A_304, %multiple_of3A_292] : memref<32x1000000xf32, #tpu.memory_space<hbm>> -> memref<32x128xf32, #tpu.memory_space<hbm>>
      tpu.enqueue_dma source(%dma_start3A_305 : memref<32x128xf32, #tpu.memory_space<hbm>>) target(%dma_start3A_303 : memref<32x128xf32, #tpu.memory_space<vmem>>) target_semaphore(%arg8 : memref<!tpu.dma_semaphore, #tpu.memory_space<semaphore_mem>>)
      %slice3A_306 = vector.extract_strided_slice %get3A_11 {offsets = [15], sizes = [1], strides = [1]} : vector<16xi32> to vector<1xi32>
      %squeeze3A_307 = vector.extract %slice3A_306[0] : i32 from vector<1xi32>
      %not3A_308 = arith.constant 127 : i32
      %not3A_309 = arith.constant -1 : i32
      %not3A_310 = arith.xori %not3A_308, %not3A_309 : i32
      %and3A_311 = arith.andi %squeeze3A_307, %not3A_310 : i32
      %multiple_of3A_312 = tpu.assume_multiple %and3A_311, 128 : i32
      %dma_start3A_313 = arith.constant 15 : i32
      %dma_start3A_314 = arith.constant 0 : i32
      %dma_start3A_315 = arith.constant 0 : i32
      %dma_start3A_316 = tpu.memref_slice %arg6[%dma_start3A_313, %dma_start3A_314, %dma_start3A_315] : memref<16x32x128xf32, #tpu.memory_space<vmem>> -> memref<1x32x128xf32, #tpu.memory_space<vmem>>
      %dma_start3A_317 = tpu.memref_squeeze %dma_start3A_316 : memref<1x32x128xf32, #tpu.memory_space<vmem>> -> memref<32x128xf32, #tpu.memory_space<vmem>>
      %dma_start3A_318 = arith.constant 0 : i32
      %dma_start3A_319 = tpu.memref_slice %arg3[%dma_start3A_318, %multiple_of3A_312] : memref<32x1000000xf32, #tpu.memory_space<hbm>> -> memref<32x128xf32, #tpu.memory_space<hbm>>
      %dma_start3A_320 = arith.constant 0 : i32
      %dma_start3A_321 = arith.constant 0 : i32
      %dma_start3A_322 = tpu.memref_slice %arg6[%dma_start3A_313, %dma_start3A_320, %dma_start3A_321] : memref<16x32x128xf32, #tpu.memory_space<vmem>> -> memref<1x32x128xf32, #tpu.memory_space<vmem>>
      %dma_start3A_323 = tpu.memref_squeeze %dma_start3A_322 : memref<1x32x128xf32, #tpu.memory_space<vmem>> -> memref<32x128xf32, #tpu.memory_space<vmem>>
      %dma_start3A_324 = arith.constant 0 : i32
      %dma_start3A_325 = tpu.memref_slice %arg3[%dma_start3A_324, %multiple_of3A_312] : memref<32x1000000xf32, #tpu.memory_space<hbm>> -> memref<32x128xf32, #tpu.memory_space<hbm>>
      tpu.enqueue_dma source(%dma_start3A_325 : memref<32x128xf32, #tpu.memory_space<hbm>>) target(%dma_start3A_323 : memref<32x128xf32, #tpu.memory_space<vmem>>) target_semaphore(%arg8 : memref<!tpu.dma_semaphore, #tpu.memory_space<semaphore_mem>>)
      %dma_wait3A = arith.constant 0 : i32
      %dma_wait3A_326 = arith.constant 0 : i32
      %dma_wait3A_327 = arith.constant 0 : i32
      %dma_wait3A_328 = tpu.memref_slice %arg6[%dma_wait3A, %dma_wait3A_326, %dma_wait3A_327] : memref<16x32x128xf32, #tpu.memory_space<vmem>> -> memref<1x32x128xf32, #tpu.memory_space<vmem>>
      %dma_wait3A_329 = tpu.memref_squeeze %dma_wait3A_328 : memref<1x32x128xf32, #tpu.memory_space<vmem>> -> memref<32x128xf32, #tpu.memory_space<vmem>>
      %dma_wait3A_330 = arith.constant 0 : i32
      %dma_wait3A_331 = tpu.memref_slice %arg3[%dma_wait3A_330, %multiple_of3A] : memref<32x1000000xf32, #tpu.memory_space<hbm>> -> memref<32x128xf32, #tpu.memory_space<hbm>>
      %dma_wait3A_332 = arith.constant 0 : i32
      %dma_wait3A_333 = arith.constant 0 : i32
      %dma_wait3A_334 = tpu.memref_slice %arg6[%dma_wait3A, %dma_wait3A_332, %dma_wait3A_333] : memref<16x32x128xf32, #tpu.memory_space<vmem>> -> memref<1x32x128xf32, #tpu.memory_space<vmem>>
      %dma_wait3A_335 = tpu.memref_squeeze %dma_wait3A_334 : memref<1x32x128xf32, #tpu.memory_space<vmem>> -> memref<32x128xf32, #tpu.memory_space<vmem>>
      %dma_wait3A_336 = arith.constant 0 : i32
      %dma_wait3A_337 = tpu.memref_slice %arg3[%dma_wait3A_336, %multiple_of3A] : memref<32x1000000xf32, #tpu.memory_space<hbm>> -> memref<32x128xf32, #tpu.memory_space<hbm>>
      tpu.wait_dma2 semaphore(%arg8 : memref<!tpu.dma_semaphore, #tpu.memory_space<semaphore_mem>>) src(%dma_wait3A_337 : memref<32x128xf32, #tpu.memory_space<hbm>>) dst(%dma_wait3A_335 : memref<32x128xf32, #tpu.memory_space<vmem>>)
      %slice3A_338 = vector.extract_strided_slice %get3A_11 {offsets = [0], sizes = [1], strides = [1]} : vector<16xi32> to vector<1xi32>
      %squeeze3A_339 = vector.extract %slice3A_338[0] : i32 from vector<1xi32>
      %and3A_340 = arith.constant 127 : i32
      %and3A_341 = arith.andi %squeeze3A_339, %and3A_340 : i32
      %broadcast_in_dim3A = vector.broadcast %and3A_341 : i32 to vector<16xi32>
      %add3A_342 = arith.constant 0 : i32
      %add3A_343 = arith.addi %mul3A_10, %add3A_342 : i32
      %broadcast_in_dim3A_344 = vector.broadcast %add3A_343 : i32 to vector<16xi32>
      %gather3A = arith.constant 0 : i32
      %gather3A_345 = arith.constant 0 : i32
      %gather3A_346 = arith.constant 0 : i32
      %gather3A_347 = tpu.memref_slice %arg6[%gather3A, %gather3A_345, %gather3A_346] : memref<16x32x128xf32, #tpu.memory_space<vmem>> -> memref<1x32x128xf32, #tpu.memory_space<vmem>>
      %gather3A_348 = tpu.memref_squeeze %gather3A_347 : memref<1x32x128xf32, #tpu.memory_space<vmem>> -> memref<32x128xf32, #tpu.memory_space<vmem>>
      %gather3A_349 = tpu.vector_load_idx %gather3A_348[%iota3A, %broadcast_in_dim3A] : memref<32x128xf32, #tpu.memory_space<vmem>>[vector<16xi32>, vector<16xi32>], vector<16xf32>,
      %add3A_350 = arith.constant 16 : i32
      %add3A_351 = vector.broadcast %add3A_350 : i32 to vector<16xi32>
      %add3A_352 = arith.addi %iota3A, %add3A_351 : vector<16xi32>
      %gather3A_353 = arith.constant 0 : i32
      %gather3A_354 = arith.constant 0 : i32
      %gather3A_355 = arith.constant 0 : i32
      %gather3A_356 = tpu.memref_slice %arg6[%gather3A_353, %gather3A_354, %gather3A_355] : memref<16x32x128xf32, #tpu.memory_space<vmem>> -> memref<1x32x128xf32, #tpu.memory_space<vmem>>
      %gather3A_357 = tpu.memref_squeeze %gather3A_356 : memref<1x32x128xf32, #tpu.memory_space<vmem>> -> memref<32x128xf32, #tpu.memory_space<vmem>>
      %gather3A_358 = tpu.vector_load_idx %gather3A_357[%add3A_352, %broadcast_in_dim3A] : memref<32x128xf32, #tpu.memory_space<vmem>>[vector<16xi32>, vector<16xi32>], vector<16xf32>,
      tpu.vector_store_idx %arg7[%iota3A, %broadcast_in_dim3A_344], %gather3A_349 : memref<32x512xf32, #tpu.memory_space<vmem>>[vector<16xi32>, vector<16xi32>], vector<16xf32>,
      %add3A_359 = arith.constant 16 : i32
      %add3A_360 = vector.broadcast %add3A_359 : i32 to vector<16xi32>
      %add3A_361 = arith.addi %iota3A, %add3A_360 : vector<16xi32>
      tpu.vector_store_idx %arg7[%add3A_361, %broadcast_in_dim3A_344], %gather3A_358 : memref<32x512xf32, #tpu.memory_space<vmem>>[vector<16xi32>, vector<16xi32>], vector<16xf32>,
      %dma_wait3A_362 = arith.constant 1 : i32
      %dma_wait3A_363 = arith.constant 0 : i32
      %dma_wait3A_364 = arith.constant 0 : i32
      %dma_wait3A_365 = tpu.memref_slice %arg6[%dma_wait3A_362, %dma_wait3A_363, %dma_wait3A_364] : memref<16x32x128xf32, #tpu.memory_space<vmem>> -> memref<1x32x128xf32, #tpu.memory_space<vmem>>
      %dma_wait3A_366 = tpu.memref_squeeze %dma_wait3A_365 : memref<1x32x128xf32, #tpu.memory_space<vmem>> -> memref<32x128xf32, #tpu.memory_space<vmem>>
      %dma_wait3A_367 = arith.constant 0 : i32
      %dma_wait3A_368 = tpu.memref_slice %arg3[%dma_wait3A_367, %multiple_of3A_32] : memref<32x1000000xf32, #tpu.memory_space<hbm>> -> memref<32x128xf32, #tpu.memory_space<hbm>>
      %dma_wait3A_369 = arith.constant 0 : i32
      %dma_wait3A_370 = arith.constant 0 : i32
      %dma_wait3A_371 = tpu.memref_slice %arg6[%dma_wait3A_362, %dma_wait3A_369, %dma_wait3A_370] : memref<16x32x128xf32, #tpu.memory_space<vmem>> -> memref<1x32x128xf32, #tpu.memory_space<vmem>>
      %dma_wait3A_372 = tpu.memref_squeeze %dma_wait3A_371 : memref<1x32x128xf32, #tpu.memory_space<vmem>> -> memref<32x128xf32, #tpu.memory_space<vmem>>
      %dma_wait3A_373 = arith.constant 0 : i32
      %dma_wait3A_374 = tpu.memref_slice %arg3[%dma_wait3A_373, %multiple_of3A_32] : memref<32x1000000xf32, #tpu.memory_space<hbm>> -> memref<32x128xf32, #tpu.memory_space<hbm>>
      tpu.wait_dma2 semaphore(%arg8 : memref<!tpu.dma_semaphore, #tpu.memory_space<semaphore_mem>>) src(%dma_wait3A_374 : memref<32x128xf32, #tpu.memory_space<hbm>>) dst(%dma_wait3A_372 : memref<32x128xf32, #tpu.memory_space<vmem>>)
      %slice3A_375 = vector.extract_strided_slice %get3A_11 {offsets = [1], sizes = [1], strides = [1]} : vector<16xi32> to vector<1xi32>
      %squeeze3A_376 = vector.extract %slice3A_375[0] : i32 from vector<1xi32>
      %and3A_377 = arith.constant 127 : i32
      %and3A_378 = arith.andi %squeeze3A_376, %and3A_377 : i32
      %broadcast_in_dim3A_379 = vector.broadcast %and3A_378 : i32 to vector<16xi32>
      %add3A_380 = arith.constant 1 : i32
      %add3A_381 = arith.addi %mul3A_10, %add3A_380 : i32
      %broadcast_in_dim3A_382 = vector.broadcast %add3A_381 : i32 to vector<16xi32>
      %gather3A_383 = arith.constant 1 : i32
      %gather3A_384 = arith.constant 0 : i32
      %gather3A_385 = arith.constant 0 : i32
      %gather3A_386 = tpu.memref_slice %arg6[%gather3A_383, %gather3A_384, %gather3A_385] : memref<16x32x128xf32, #tpu.memory_space<vmem>> -> memref<1x32x128xf32, #tpu.memory_space<vmem>>
      %gather3A_387 = tpu.memref_squeeze %gather3A_386 : memref<1x32x128xf32, #tpu.memory_space<vmem>> -> memref<32x128xf32, #tpu.memory_space<vmem>>
      %gather3A_388 = tpu.vector_load_idx %gather3A_387[%iota3A, %broadcast_in_dim3A_379] : memref<32x128xf32, #tpu.memory_space<vmem>>[vector<16xi32>, vector<16xi32>], vector<16xf32>,
      %add3A_389 = arith.constant 16 : i32
      %add3A_390 = vector.broadcast %add3A_389 : i32 to vector<16xi32>
      %add3A_391 = arith.addi %iota3A, %add3A_390 : vector<16xi32>
      %gather3A_392 = arith.constant 1 : i32
      %gather3A_393 = arith.constant 0 : i32
      %gather3A_394 = arith.constant 0 : i32
      %gather3A_395 = tpu.memref_slice %arg6[%gather3A_392, %gather3A_393, %gather3A_394] : memref<16x32x128xf32, #tpu.memory_space<vmem>> -> memref<1x32x128xf32, #tpu.memory_space<vmem>>
      %gather3A_396 = tpu.memref_squeeze %gather3A_395 : memref<1x32x128xf32, #tpu.memory_space<vmem>> -> memref<32x128xf32, #tpu.memory_space<vmem>>
      %gather3A_397 = tpu.vector_load_idx %gather3A_396[%add3A_391, %broadcast_in_dim3A_379] : memref<32x128xf32, #tpu.memory_space<vmem>>[vector<16xi32>, vector<16xi32>], vector<16xf32>,
      tpu.vector_store_idx %arg7[%iota3A, %broadcast_in_dim3A_382], %gather3A_388 : memref<32x512xf32, #tpu.memory_space<vmem>>[vector<16xi32>, vector<16xi32>], vector<16xf32>,
      %add3A_398 = arith.constant 16 : i32
      %add3A_399 = vector.broadcast %add3A_398 : i32 to vector<16xi32>
      %add3A_400 = arith.addi %iota3A, %add3A_399 : vector<16xi32>
      tpu.vector_store_idx %arg7[%add3A_400, %broadcast_in_dim3A_382], %gather3A_397 : memref<32x512xf32, #tpu.memory_space<vmem>>[vector<16xi32>, vector<16xi32>], vector<16xf32>,
      %dma_wait3A_401 = arith.constant 2 : i32
      %dma_wait3A_402 = arith.constant 0 : i32
      %dma_wait3A_403 = arith.constant 0 : i32
      %dma_wait3A_404 = tpu.memref_slice %arg6[%dma_wait3A_401, %dma_wait3A_402, %dma_wait3A_403] : memref<16x32x128xf32, #tpu.memory_space<vmem>> -> memref<1x32x128xf32, #tpu.memory_space<vmem>>
      %dma_wait3A_405 = tpu.memref_squeeze %dma_wait3A_404 : memref<1x32x128xf32, #tpu.memory_space<vmem>> -> memref<32x128xf32, #tpu.memory_space<vmem>>
      %dma_wait3A_406 = arith.constant 0 : i32
      %dma_wait3A_407 = tpu.memref_slice %arg3[%dma_wait3A_406, %multiple_of3A_52] : memref<32x1000000xf32, #tpu.memory_space<hbm>> -> memref<32x128xf32, #tpu.memory_space<hbm>>
      %dma_wait3A_408 = arith.constant 0 : i32
      %dma_wait3A_409 = arith.constant 0 : i32
      %dma_wait3A_410 = tpu.memref_slice %arg6[%dma_wait3A_401, %dma_wait3A_408, %dma_wait3A_409] : memref<16x32x128xf32, #tpu.memory_space<vmem>> -> memref<1x32x128xf32, #tpu.memory_space<vmem>>
      %dma_wait3A_411 = tpu.memref_squeeze %dma_wait3A_410 : memref<1x32x128xf32, #tpu.memory_space<vmem>> -> memref<32x128xf32, #tpu.memory_space<vmem>>
      %dma_wait3A_412 = arith.constant 0 : i32
      %dma_wait3A_413 = tpu.memref_slice %arg3[%dma_wait3A_412, %multiple_of3A_52] : memref<32x1000000xf32, #tpu.memory_space<hbm>> -> memref<32x128xf32, #tpu.memory_space<hbm>>
      tpu.wait_dma2 semaphore(%arg8 : memref<!tpu.dma_semaphore, #tpu.memory_space<semaphore_mem>>) src(%dma_wait3A_413 : memref<32x128xf32, #tpu.memory_space<hbm>>) dst(%dma_wait3A_411 : memref<32x128xf32, #tpu.memory_space<vmem>>)
      %slice3A_414 = vector.extract_strided_slice %get3A_11 {offsets = [2], sizes = [1], strides = [1]} : vector<16xi32> to vector<1xi32>
      %squeeze3A_415 = vector.extract %slice3A_414[0] : i32 from vector<1xi32>
      %and3A_416 = arith.constant 127 : i32
      %and3A_417 = arith.andi %squeeze3A_415, %and3A_416 : i32
      %broadcast_in_dim3A_418 = vector.broadcast %and3A_417 : i32 to vector<16xi32>
      %add3A_419 = arith.constant 2 : i32
      %add3A_420 = arith.addi %mul3A_10, %add3A_419 : i32
      %broadcast_in_dim3A_421 = vector.broadcast %add3A_420 : i32 to vector<16xi32>
      %gather3A_422 = arith.constant 2 : i32
      %gather3A_423 = arith.constant 0 : i32
      %gather3A_424 = arith.constant 0 : i32
      %gather3A_425 = tpu.memref_slice %arg6[%gather3A_422, %gather3A_423, %gather3A_424] : memref<16x32x128xf32, #tpu.memory_space<vmem>> -> memref<1x32x128xf32, #tpu.memory_space<vmem>>
      %gather3A_426 = tpu.memref_squeeze %gather3A_425 : memref<1x32x128xf32, #tpu.memory_space<vmem>> -> memref<32x128xf32, #tpu.memory_space<vmem>>
      %gather3A_427 = tpu.vector_load_idx %gather3A_426[%iota3A, %broadcast_in_dim3A_418] : memref<32x128xf32, #tpu.memory_space<vmem>>[vector<16xi32>, vector<16xi32>], vector<16xf32>,
      %add3A_428 = arith.constant 16 : i32
      %add3A_429 = vector.broadcast %add3A_428 : i32 to vector<16xi32>
      %add3A_430 = arith.addi %iota3A, %add3A_429 : vector<16xi32>
      %gather3A_431 = arith.constant 2 : i32
      %gather3A_432 = arith.constant 0 : i32
      %gather3A_433 = arith.constant 0 : i32
      %gather3A_434 = tpu.memref_slice %arg6[%gather3A_431, %gather3A_432, %gather3A_433] : memref<16x32x128xf32, #tpu.memory_space<vmem>> -> memref<1x32x128xf32, #tpu.memory_space<vmem>>
      %gather3A_435 = tpu.memref_squeeze %gather3A_434 : memref<1x32x128xf32, #tpu.memory_space<vmem>> -> memref<32x128xf32, #tpu.memory_space<vmem>>
      %gather3A_436 = tpu.vector_load_idx %gather3A_435[%add3A_430, %broadcast_in_dim3A_418] : memref<32x128xf32, #tpu.memory_space<vmem>>[vector<16xi32>, vector<16xi32>], vector<16xf32>,
      tpu.vector_store_idx %arg7[%iota3A, %broadcast_in_dim3A_421], %gather3A_427 : memref<32x512xf32, #tpu.memory_space<vmem>>[vector<16xi32>, vector<16xi32>], vector<16xf32>,
      %add3A_437 = arith.constant 16 : i32
      %add3A_438 = vector.broadcast %add3A_437 : i32 to vector<16xi32>
      %add3A_439 = arith.addi %iota3A, %add3A_438 : vector<16xi32>
      tpu.vector_store_idx %arg7[%add3A_439, %broadcast_in_dim3A_421], %gather3A_436 : memref<32x512xf32, #tpu.memory_space<vmem>>[vector<16xi32>, vector<16xi32>], vector<16xf32>,
      %dma_wait3A_440 = arith.constant 3 : i32
      %dma_wait3A_441 = arith.constant 0 : i32
      %dma_wait3A_442 = arith.constant 0 : i32
      %dma_wait3A_443 = tpu.memref_slice %arg6[%dma_wait3A_440, %dma_wait3A_441, %dma_wait3A_442] : memref<16x32x128xf32, #tpu.memory_space<vmem>> -> memref<1x32x128xf32, #tpu.memory_space<vmem>>
      %dma_wait3A_444 = tpu.memref_squeeze %dma_wait3A_443 : memref<1x32x128xf32, #tpu.memory_space<vmem>> -> memref<32x128xf32, #tpu.memory_space<vmem>>
      %dma_wait3A_445 = arith.constant 0 : i32
      %dma_wait3A_446 = tpu.memref_slice %arg3[%dma_wait3A_445, %multiple_of3A_72] : memref<32x1000000xf32, #tpu.memory_space<hbm>> -> memref<32x128xf32, #tpu.memory_space<hbm>>
      %dma_wait3A_447 = arith.constant 0 : i32
      %dma_wait3A_448 = arith.constant 0 : i32
      %dma_wait3A_449 = tpu.memref_slice %arg6[%dma_wait3A_440, %dma_wait3A_447, %dma_wait3A_448] : memref<16x32x128xf32, #tpu.memory_space<vmem>> -> memref<1x32x128xf32, #tpu.memory_space<vmem>>
      %dma_wait3A_450 = tpu.memref_squeeze %dma_wait3A_449 : memref<1x32x128xf32, #tpu.memory_space<vmem>> -> memref<32x128xf32, #tpu.memory_space<vmem>>
      %dma_wait3A_451 = arith.constant 0 : i32
      %dma_wait3A_452 = tpu.memref_slice %arg3[%dma_wait3A_451, %multiple_of3A_72] : memref<32x1000000xf32, #tpu.memory_space<hbm>> -> memref<32x128xf32, #tpu.memory_space<hbm>>
      tpu.wait_dma2 semaphore(%arg8 : memref<!tpu.dma_semaphore, #tpu.memory_space<semaphore_mem>>) src(%dma_wait3A_452 : memref<32x128xf32, #tpu.memory_space<hbm>>) dst(%dma_wait3A_450 : memref<32x128xf32, #tpu.memory_space<vmem>>)
      %slice3A_453 = vector.extract_strided_slice %get3A_11 {offsets = [3], sizes = [1], strides = [1]} : vector<16xi32> to vector<1xi32>
      %squeeze3A_454 = vector.extract %slice3A_453[0] : i32 from vector<1xi32>
      %and3A_455 = arith.constant 127 : i32
      %and3A_456 = arith.andi %squeeze3A_454, %and3A_455 : i32
      %broadcast_in_dim3A_457 = vector.broadcast %and3A_456 : i32 to vector<16xi32>
      %add3A_458 = arith.constant 3 : i32
      %add3A_459 = arith.addi %mul3A_10, %add3A_458 : i32
      %broadcast_in_dim3A_460 = vector.broadcast %add3A_459 : i32 to vector<16xi32>
      %gather3A_461 = arith.constant 3 : i32
      %gather3A_462 = arith.constant 0 : i32
      %gather3A_463 = arith.constant 0 : i32
      %gather3A_464 = tpu.memref_slice %arg6[%gather3A_461, %gather3A_462, %gather3A_463] : memref<16x32x128xf32, #tpu.memory_space<vmem>> -> memref<1x32x128xf32, #tpu.memory_space<vmem>>
      %gather3A_465 = tpu.memref_squeeze %gather3A_464 : memref<1x32x128xf32, #tpu.memory_space<vmem>> -> memref<32x128xf32, #tpu.memory_space<vmem>>
      %gather3A_466 = tpu.vector_load_idx %gather3A_465[%iota3A, %broadcast_in_dim3A_457] : memref<32x128xf32, #tpu.memory_space<vmem>>[vector<16xi32>, vector<16xi32>], vector<16xf32>,
      %add3A_467 = arith.constant 16 : i32
      %add3A_468 = vector.broadcast %add3A_467 : i32 to vector<16xi32>
      %add3A_469 = arith.addi %iota3A, %add3A_468 : vector<16xi32>
      %gather3A_470 = arith.constant 3 : i32
      %gather3A_471 = arith.constant 0 : i32
      %gather3A_472 = arith.constant 0 : i32
      %gather3A_473 = tpu.memref_slice %arg6[%gather3A_470, %gather3A_471, %gather3A_472] : memref<16x32x128xf32, #tpu.memory_space<vmem>> -> memref<1x32x128xf32, #tpu.memory_space<vmem>>
      %gather3A_474 = tpu.memref_squeeze %gather3A_473 : memref<1x32x128xf32, #tpu.memory_space<vmem>> -> memref<32x128xf32, #tpu.memory_space<vmem>>
      %gather3A_475 = tpu.vector_load_idx %gather3A_474[%add3A_469, %broadcast_in_dim3A_457] : memref<32x128xf32, #tpu.memory_space<vmem>>[vector<16xi32>, vector<16xi32>], vector<16xf32>,
      tpu.vector_store_idx %arg7[%iota3A, %broadcast_in_dim3A_460], %gather3A_466 : memref<32x512xf32, #tpu.memory_space<vmem>>[vector<16xi32>, vector<16xi32>], vector<16xf32>,
      %add3A_476 = arith.constant 16 : i32
      %add3A_477 = vector.broadcast %add3A_476 : i32 to vector<16xi32>
      %add3A_478 = arith.addi %iota3A, %add3A_477 : vector<16xi32>
      tpu.vector_store_idx %arg7[%add3A_478, %broadcast_in_dim3A_460], %gather3A_475 : memref<32x512xf32, #tpu.memory_space<vmem>>[vector<16xi32>, vector<16xi32>], vector<16xf32>,
      %dma_wait3A_479 = arith.constant 4 : i32
      %dma_wait3A_480 = arith.constant 0 : i32
      %dma_wait3A_481 = arith.constant 0 : i32
      %dma_wait3A_482 = tpu.memref_slice %arg6[%dma_wait3A_479, %dma_wait3A_480, %dma_wait3A_481] : memref<16x32x128xf32, #tpu.memory_space<vmem>> -> memref<1x32x128xf32, #tpu.memory_space<vmem>>
      %dma_wait3A_483 = tpu.memref_squeeze %dma_wait3A_482 : memref<1x32x128xf32, #tpu.memory_space<vmem>> -> memref<32x128xf32, #tpu.memory_space<vmem>>
      %dma_wait3A_484 = arith.constant 0 : i32
      %dma_wait3A_485 = tpu.memref_slice %arg3[%dma_wait3A_484, %multiple_of3A_92] : memref<32x1000000xf32, #tpu.memory_space<hbm>> -> memref<32x128xf32, #tpu.memory_space<hbm>>
      %dma_wait3A_486 = arith.constant 0 : i32
      %dma_wait3A_487 = arith.constant 0 : i32
      %dma_wait3A_488 = tpu.memref_slice %arg6[%dma_wait3A_479, %dma_wait3A_486, %dma_wait3A_487] : memref<16x32x128xf32, #tpu.memory_space<vmem>> -> memref<1x32x128xf32, #tpu.memory_space<vmem>>
      %dma_wait3A_489 = tpu.memref_squeeze %dma_wait3A_488 : memref<1x32x128xf32, #tpu.memory_space<vmem>> -> memref<32x128xf32, #tpu.memory_space<vmem>>
      %dma_wait3A_490 = arith.constant 0 : i32
      %dma_wait3A_491 = tpu.memref_slice %arg3[%dma_wait3A_490, %multiple_of3A_92] : memref<32x1000000xf32, #tpu.memory_space<hbm>> -> memref<32x128xf32, #tpu.memory_space<hbm>>
      tpu.wait_dma2 semaphore(%arg8 : memref<!tpu.dma_semaphore, #tpu.memory_space<semaphore_mem>>) src(%dma_wait3A_491 : memref<32x128xf32, #tpu.memory_space<hbm>>) dst(%dma_wait3A_489 : memref<32x128xf32, #tpu.memory_space<vmem>>)
      %slice3A_492 = vector.extract_strided_slice %get3A_11 {offsets = [4], sizes = [1], strides = [1]} : vector<16xi32> to vector<1xi32>
      %squeeze3A_493 = vector.extract %slice3A_492[0] : i32 from vector<1xi32>
      %and3A_494 = arith.constant 127 : i32
      %and3A_495 = arith.andi %squeeze3A_493, %and3A_494 : i32
      %broadcast_in_dim3A_496 = vector.broadcast %and3A_495 : i32 to vector<16xi32>
      %add3A_497 = arith.constant 4 : i32
      %add3A_498 = arith.addi %mul3A_10, %add3A_497 : i32
      %broadcast_in_dim3A_499 = vector.broadcast %add3A_498 : i32 to vector<16xi32>
      %gather3A_500 = arith.constant 4 : i32
      %gather3A_501 = arith.constant 0 : i32
      %gather3A_502 = arith.constant 0 : i32
      %gather3A_503 = tpu.memref_slice %arg6[%gather3A_500, %gather3A_501, %gather3A_502] : memref<16x32x128xf32, #tpu.memory_space<vmem>> -> memref<1x32x128xf32, #tpu.memory_space<vmem>>
      %gather3A_504 = tpu.memref_squeeze %gather3A_503 : memref<1x32x128xf32, #tpu.memory_space<vmem>> -> memref<32x128xf32, #tpu.memory_space<vmem>>
      %gather3A_505 = tpu.vector_load_idx %gather3A_504[%iota3A, %broadcast_in_dim3A_496] : memref<32x128xf32, #tpu.memory_space<vmem>>[vector<16xi32>, vector<16xi32>], vector<16xf32>,
      %add3A_506 = arith.constant 16 : i32
      %add3A_507 = vector.broadcast %add3A_506 : i32 to vector<16xi32>
      %add3A_508 = arith.addi %iota3A, %add3A_507 : vector<16xi32>
      %gather3A_509 = arith.constant 4 : i32
      %gather3A_510 = arith.constant 0 : i32
      %gather3A_511 = arith.constant 0 : i32
      %gather3A_512 = tpu.memref_slice %arg6[%gather3A_509, %gather3A_510, %gather3A_511] : memref<16x32x128xf32, #tpu.memory_space<vmem>> -> memref<1x32x128xf32, #tpu.memory_space<vmem>>
      %gather3A_513 = tpu.memref_squeeze %gather3A_512 : memref<1x32x128xf32, #tpu.memory_space<vmem>> -> memref<32x128xf32, #tpu.memory_space<vmem>>
      %gather3A_514 = tpu.vector_load_idx %gather3A_513[%add3A_508, %broadcast_in_dim3A_496] : memref<32x128xf32, #tpu.memory_space<vmem>>[vector<16xi32>, vector<16xi32>], vector<16xf32>,
      tpu.vector_store_idx %arg7[%iota3A, %broadcast_in_dim3A_499], %gather3A_505 : memref<32x512xf32, #tpu.memory_space<vmem>>[vector<16xi32>, vector<16xi32>], vector<16xf32>,
      %add3A_515 = arith.constant 16 : i32
      %add3A_516 = vector.broadcast %add3A_515 : i32 to vector<16xi32>
      %add3A_517 = arith.addi %iota3A, %add3A_516 : vector<16xi32>
      tpu.vector_store_idx %arg7[%add3A_517, %broadcast_in_dim3A_499], %gather3A_514 : memref<32x512xf32, #tpu.memory_space<vmem>>[vector<16xi32>, vector<16xi32>], vector<16xf32>,
      %dma_wait3A_518 = arith.constant 5 : i32
      %dma_wait3A_519 = arith.constant 0 : i32
      %dma_wait3A_520 = arith.constant 0 : i32
      %dma_wait3A_521 = tpu.memref_slice %arg6[%dma_wait3A_518, %dma_wait3A_519, %dma_wait3A_520] : memref<16x32x128xf32, #tpu.memory_space<vmem>> -> memref<1x32x128xf32, #tpu.memory_space<vmem>>
      %dma_wait3A_522 = tpu.memref_squeeze %dma_wait3A_521 : memref<1x32x128xf32, #tpu.memory_space<vmem>> -> memref<32x128xf32, #tpu.memory_space<vmem>>
      %dma_wait3A_523 = arith.constant 0 : i32
      %dma_wait3A_524 = tpu.memref_slice %arg3[%dma_wait3A_523, %multiple_of3A_112] : memref<32x1000000xf32, #tpu.memory_space<hbm>> -> memref<32x128xf32, #tpu.memory_space<hbm>>
      %dma_wait3A_525 = arith.constant 0 : i32
      %dma_wait3A_526 = arith.constant 0 : i32
      %dma_wait3A_527 = tpu.memref_slice %arg6[%dma_wait3A_518, %dma_wait3A_525, %dma_wait3A_526] : memref<16x32x128xf32, #tpu.memory_space<vmem>> -> memref<1x32x128xf32, #tpu.memory_space<vmem>>
      %dma_wait3A_528 = tpu.memref_squeeze %dma_wait3A_527 : memref<1x32x128xf32, #tpu.memory_space<vmem>> -> memref<32x128xf32, #tpu.memory_space<vmem>>
      %dma_wait3A_529 = arith.constant 0 : i32
      %dma_wait3A_530 = tpu.memref_slice %arg3[%dma_wait3A_529, %multiple_of3A_112] : memref<32x1000000xf32, #tpu.memory_space<hbm>> -> memref<32x128xf32, #tpu.memory_space<hbm>>
      tpu.wait_dma2 semaphore(%arg8 : memref<!tpu.dma_semaphore, #tpu.memory_space<semaphore_mem>>) src(%dma_wait3A_530 : memref<32x128xf32, #tpu.memory_space<hbm>>) dst(%dma_wait3A_528 : memref<32x128xf32, #tpu.memory_space<vmem>>)
      %slice3A_531 = vector.extract_strided_slice %get3A_11 {offsets = [5], sizes = [1], strides = [1]} : vector<16xi32> to vector<1xi32>
      %squeeze3A_532 = vector.extract %slice3A_531[0] : i32 from vector<1xi32>
      %and3A_533 = arith.constant 127 : i32
      %and3A_534 = arith.andi %squeeze3A_532, %and3A_533 : i32
      %broadcast_in_dim3A_535 = vector.broadcast %and3A_534 : i32 to vector<16xi32>
      %add3A_536 = arith.constant 5 : i32
      %add3A_537 = arith.addi %mul3A_10, %add3A_536 : i32
      %broadcast_in_dim3A_538 = vector.broadcast %add3A_537 : i32 to vector<16xi32>
      %gather3A_539 = arith.constant 5 : i32
      %gather3A_540 = arith.constant 0 : i32
      %gather3A_541 = arith.constant 0 : i32
      %gather3A_542 = tpu.memref_slice %arg6[%gather3A_539, %gather3A_540, %gather3A_541] : memref<16x32x128xf32, #tpu.memory_space<vmem>> -> memref<1x32x128xf32, #tpu.memory_space<vmem>>
      %gather3A_543 = tpu.memref_squeeze %gather3A_542 : memref<1x32x128xf32, #tpu.memory_space<vmem>> -> memref<32x128xf32, #tpu.memory_space<vmem>>
      %gather3A_544 = tpu.vector_load_idx %gather3A_543[%iota3A, %broadcast_in_dim3A_535] : memref<32x128xf32, #tpu.memory_space<vmem>>[vector<16xi32>, vector<16xi32>], vector<16xf32>,
      %add3A_545 = arith.constant 16 : i32
      %add3A_546 = vector.broadcast %add3A_545 : i32 to vector<16xi32>
      %add3A_547 = arith.addi %iota3A, %add3A_546 : vector<16xi32>
      %gather3A_548 = arith.constant 5 : i32
      %gather3A_549 = arith.constant 0 : i32
      %gather3A_550 = arith.constant 0 : i32
      %gather3A_551 = tpu.memref_slice %arg6[%gather3A_548, %gather3A_549, %gather3A_550] : memref<16x32x128xf32, #tpu.memory_space<vmem>> -> memref<1x32x128xf32, #tpu.memory_space<vmem>>
      %gather3A_552 = tpu.memref_squeeze %gather3A_551 : memref<1x32x128xf32, #tpu.memory_space<vmem>> -> memref<32x128xf32, #tpu.memory_space<vmem>>
      %gather3A_553 = tpu.vector_load_idx %gather3A_552[%add3A_547, %broadcast_in_dim3A_535] : memref<32x128xf32, #tpu.memory_space<vmem>>[vector<16xi32>, vector<16xi32>], vector<16xf32>,
      tpu.vector_store_idx %arg7[%iota3A, %broadcast_in_dim3A_538], %gather3A_544 : memref<32x512xf32, #tpu.memory_space<vmem>>[vector<16xi32>, vector<16xi32>], vector<16xf32>,
      %add3A_554 = arith.constant 16 : i32
      %add3A_555 = vector.broadcast %add3A_554 : i32 to vector<16xi32>
      %add3A_556 = arith.addi %iota3A, %add3A_555 : vector<16xi32>
      tpu.vector_store_idx %arg7[%add3A_556, %broadcast_in_dim3A_538], %gather3A_553 : memref<32x512xf32, #tpu.memory_space<vmem>>[vector<16xi32>, vector<16xi32>], vector<16xf32>,
      %dma_wait3A_557 = arith.constant 6 : i32
      %dma_wait3A_558 = arith.constant 0 : i32
      %dma_wait3A_559 = arith.constant 0 : i32
      %dma_wait3A_560 = tpu.memref_slice %arg6[%dma_wait3A_557, %dma_wait3A_558, %dma_wait3A_559] : memref<16x32x128xf32, #tpu.memory_space<vmem>> -> memref<1x32x128xf32, #tpu.memory_space<vmem>>
      %dma_wait3A_561 = tpu.memref_squeeze %dma_wait3A_560 : memref<1x32x128xf32, #tpu.memory_space<vmem>> -> memref<32x128xf32, #tpu.memory_space<vmem>>
      %dma_wait3A_562 = arith.constant 0 : i32
      %dma_wait3A_563 = tpu.memref_slice %arg3[%dma_wait3A_562, %multiple_of3A_132] : memref<32x1000000xf32, #tpu.memory_space<hbm>> -> memref<32x128xf32, #tpu.memory_space<hbm>>
      %dma_wait3A_564 = arith.constant 0 : i32
      %dma_wait3A_565 = arith.constant 0 : i32
      %dma_wait3A_566 = tpu.memref_slice %arg6[%dma_wait3A_557, %dma_wait3A_564, %dma_wait3A_565] : memref<16x32x128xf32, #tpu.memory_space<vmem>> -> memref<1x32x128xf32, #tpu.memory_space<vmem>>
      %dma_wait3A_567 = tpu.memref_squeeze %dma_wait3A_566 : memref<1x32x128xf32, #tpu.memory_space<vmem>> -> memref<32x128xf32, #tpu.memory_space<vmem>>
      %dma_wait3A_568 = arith.constant 0 : i32
      %dma_wait3A_569 = tpu.memref_slice %arg3[%dma_wait3A_568, %multiple_of3A_132] : memref<32x1000000xf32, #tpu.memory_space<hbm>> -> memref<32x128xf32, #tpu.memory_space<hbm>>
      tpu.wait_dma2 semaphore(%arg8 : memref<!tpu.dma_semaphore, #tpu.memory_space<semaphore_mem>>) src(%dma_wait3A_569 : memref<32x128xf32, #tpu.memory_space<hbm>>) dst(%dma_wait3A_567 : memref<32x128xf32, #tpu.memory_space<vmem>>)
      %slice3A_570 = vector.extract_strided_slice %get3A_11 {offsets = [6], sizes = [1], strides = [1]} : vector<16xi32> to vector<1xi32>
      %squeeze3A_571 = vector.extract %slice3A_570[0] : i32 from vector<1xi32>
      %and3A_572 = arith.constant 127 : i32
      %and3A_573 = arith.andi %squeeze3A_571, %and3A_572 : i32
      %broadcast_in_dim3A_574 = vector.broadcast %and3A_573 : i32 to vector<16xi32>
      %add3A_575 = arith.constant 6 : i32
      %add3A_576 = arith.addi %mul3A_10, %add3A_575 : i32
      %broadcast_in_dim3A_577 = vector.broadcast %add3A_576 : i32 to vector<16xi32>
      %gather3A_578 = arith.constant 6 : i32
      %gather3A_579 = arith.constant 0 : i32
      %gather3A_580 = arith.constant 0 : i32
      %gather3A_581 = tpu.memref_slice %arg6[%gather3A_578, %gather3A_579, %gather3A_580] : memref<16x32x128xf32, #tpu.memory_space<vmem>> -> memref<1x32x128xf32, #tpu.memory_space<vmem>>
      %gather3A_582 = tpu.memref_squeeze %gather3A_581 : memref<1x32x128xf32, #tpu.memory_space<vmem>> -> memref<32x128xf32, #tpu.memory_space<vmem>>
      %gather3A_583 = tpu.vector_load_idx %gather3A_582[%iota3A, %broadcast_in_dim3A_574] : memref<32x128xf32, #tpu.memory_space<vmem>>[vector<16xi32>, vector<16xi32>], vector<16xf32>,
      %add3A_584 = arith.constant 16 : i32
      %add3A_585 = vector.broadcast %add3A_584 : i32 to vector<16xi32>
      %add3A_586 = arith.addi %iota3A, %add3A_585 : vector<16xi32>
      %gather3A_587 = arith.constant 6 : i32
      %gather3A_588 = arith.constant 0 : i32
      %gather3A_589 = arith.constant 0 : i32
      %gather3A_590 = tpu.memref_slice %arg6[%gather3A_587, %gather3A_588, %gather3A_589] : memref<16x32x128xf32, #tpu.memory_space<vmem>> -> memref<1x32x128xf32, #tpu.memory_space<vmem>>
      %gather3A_591 = tpu.memref_squeeze %gather3A_590 : memref<1x32x128xf32, #tpu.memory_space<vmem>> -> memref<32x128xf32, #tpu.memory_space<vmem>>
      %gather3A_592 = tpu.vector_load_idx %gather3A_591[%add3A_586, %broadcast_in_dim3A_574] : memref<32x128xf32, #tpu.memory_space<vmem>>[vector<16xi32>, vector<16xi32>], vector<16xf32>,
      tpu.vector_store_idx %arg7[%iota3A, %broadcast_in_dim3A_577], %gather3A_583 : memref<32x512xf32, #tpu.memory_space<vmem>>[vector<16xi32>, vector<16xi32>], vector<16xf32>,
      %add3A_593 = arith.constant 16 : i32
      %add3A_594 = vector.broadcast %add3A_593 : i32 to vector<16xi32>
      %add3A_595 = arith.addi %iota3A, %add3A_594 : vector<16xi32>
      tpu.vector_store_idx %arg7[%add3A_595, %broadcast_in_dim3A_577], %gather3A_592 : memref<32x512xf32, #tpu.memory_space<vmem>>[vector<16xi32>, vector<16xi32>], vector<16xf32>,
      %dma_wait3A_596 = arith.constant 7 : i32
      %dma_wait3A_597 = arith.constant 0 : i32
      %dma_wait3A_598 = arith.constant 0 : i32
      %dma_wait3A_599 = tpu.memref_slice %arg6[%dma_wait3A_596, %dma_wait3A_597, %dma_wait3A_598] : memref<16x32x128xf32, #tpu.memory_space<vmem>> -> memref<1x32x128xf32, #tpu.memory_space<vmem>>
      %dma_wait3A_600 = tpu.memref_squeeze %dma_wait3A_599 : memref<1x32x128xf32, #tpu.memory_space<vmem>> -> memref<32x128xf32, #tpu.memory_space<vmem>>
      %dma_wait3A_601 = arith.constant 0 : i32
      %dma_wait3A_602 = tpu.memref_slice %arg3[%dma_wait3A_601, %multiple_of3A_152] : memref<32x1000000xf32, #tpu.memory_space<hbm>> -> memref<32x128xf32, #tpu.memory_space<hbm>>
      %dma_wait3A_603 = arith.constant 0 : i32
      %dma_wait3A_604 = arith.constant 0 : i32
      %dma_wait3A_605 = tpu.memref_slice %arg6[%dma_wait3A_596, %dma_wait3A_603, %dma_wait3A_604] : memref<16x32x128xf32, #tpu.memory_space<vmem>> -> memref<1x32x128xf32, #tpu.memory_space<vmem>>
      %dma_wait3A_606 = tpu.memref_squeeze %dma_wait3A_605 : memref<1x32x128xf32, #tpu.memory_space<vmem>> -> memref<32x128xf32, #tpu.memory_space<vmem>>
      %dma_wait3A_607 = arith.constant 0 : i32
      %dma_wait3A_608 = tpu.memref_slice %arg3[%dma_wait3A_607, %multiple_of3A_152] : memref<32x1000000xf32, #tpu.memory_space<hbm>> -> memref<32x128xf32, #tpu.memory_space<hbm>>
      tpu.wait_dma2 semaphore(%arg8 : memref<!tpu.dma_semaphore, #tpu.memory_space<semaphore_mem>>) src(%dma_wait3A_608 : memref<32x128xf32, #tpu.memory_space<hbm>>) dst(%dma_wait3A_606 : memref<32x128xf32, #tpu.memory_space<vmem>>)
      %slice3A_609 = vector.extract_strided_slice %get3A_11 {offsets = [7], sizes = [1], strides = [1]} : vector<16xi32> to vector<1xi32>
      %squeeze3A_610 = vector.extract %slice3A_609[0] : i32 from vector<1xi32>
      %and3A_611 = arith.constant 127 : i32
      %and3A_612 = arith.andi %squeeze3A_610, %and3A_611 : i32
      %broadcast_in_dim3A_613 = vector.broadcast %and3A_612 : i32 to vector<16xi32>
      %add3A_614 = arith.constant 7 : i32
      %add3A_615 = arith.addi %mul3A_10, %add3A_614 : i32
      %broadcast_in_dim3A_616 = vector.broadcast %add3A_615 : i32 to vector<16xi32>
      %gather3A_617 = arith.constant 7 : i32
      %gather3A_618 = arith.constant 0 : i32
      %gather3A_619 = arith.constant 0 : i32
      %gather3A_620 = tpu.memref_slice %arg6[%gather3A_617, %gather3A_618, %gather3A_619] : memref<16x32x128xf32, #tpu.memory_space<vmem>> -> memref<1x32x128xf32, #tpu.memory_space<vmem>>
      %gather3A_621 = tpu.memref_squeeze %gather3A_620 : memref<1x32x128xf32, #tpu.memory_space<vmem>> -> memref<32x128xf32, #tpu.memory_space<vmem>>
      %gather3A_622 = tpu.vector_load_idx %gather3A_621[%iota3A, %broadcast_in_dim3A_613] : memref<32x128xf32, #tpu.memory_space<vmem>>[vector<16xi32>, vector<16xi32>], vector<16xf32>,
      %add3A_623 = arith.constant 16 : i32
      %add3A_624 = vector.broadcast %add3A_623 : i32 to vector<16xi32>
      %add3A_625 = arith.addi %iota3A, %add3A_624 : vector<16xi32>
      %gather3A_626 = arith.constant 7 : i32
      %gather3A_627 = arith.constant 0 : i32
      %gather3A_628 = arith.constant 0 : i32
      %gather3A_629 = tpu.memref_slice %arg6[%gather3A_626, %gather3A_627, %gather3A_628] : memref<16x32x128xf32, #tpu.memory_space<vmem>> -> memref<1x32x128xf32, #tpu.memory_space<vmem>>
      %gather3A_630 = tpu.memref_squeeze %gather3A_629 : memref<1x32x128xf32, #tpu.memory_space<vmem>> -> memref<32x128xf32, #tpu.memory_space<vmem>>
      %gather3A_631 = tpu.vector_load_idx %gather3A_630[%add3A_625, %broadcast_in_dim3A_613] : memref<32x128xf32, #tpu.memory_space<vmem>>[vector<16xi32>, vector<16xi32>], vector<16xf32>,
      tpu.vector_store_idx %arg7[%iota3A, %broadcast_in_dim3A_616], %gather3A_622 : memref<32x512xf32, #tpu.memory_space<vmem>>[vector<16xi32>, vector<16xi32>], vector<16xf32>,
      %add3A_632 = arith.constant 16 : i32
      %add3A_633 = vector.broadcast %add3A_632 : i32 to vector<16xi32>
      %add3A_634 = arith.addi %iota3A, %add3A_633 : vector<16xi32>
      tpu.vector_store_idx %arg7[%add3A_634, %broadcast_in_dim3A_616], %gather3A_631 : memref<32x512xf32, #tpu.memory_space<vmem>>[vector<16xi32>, vector<16xi32>], vector<16xf32>,
      %dma_wait3A_635 = arith.constant 8 : i32
      %dma_wait3A_636 = arith.constant 0 : i32
      %dma_wait3A_637 = arith.constant 0 : i32
      %dma_wait3A_638 = tpu.memref_slice %arg6[%dma_wait3A_635, %dma_wait3A_636, %dma_wait3A_637] : memref<16x32x128xf32, #tpu.memory_space<vmem>> -> memref<1x32x128xf32, #tpu.memory_space<vmem>>
      %dma_wait3A_639 = tpu.memref_squeeze %dma_wait3A_638 : memref<1x32x128xf32, #tpu.memory_space<vmem>> -> memref<32x128xf32, #tpu.memory_space<vmem>>
      %dma_wait3A_640 = arith.constant 0 : i32
      %dma_wait3A_641 = tpu.memref_slice %arg3[%dma_wait3A_640, %multiple_of3A_172] : memref<32x1000000xf32, #tpu.memory_space<hbm>> -> memref<32x128xf32, #tpu.memory_space<hbm>>
      %dma_wait3A_642 = arith.constant 0 : i32
      %dma_wait3A_643 = arith.constant 0 : i32
      %dma_wait3A_644 = tpu.memref_slice %arg6[%dma_wait3A_635, %dma_wait3A_642, %dma_wait3A_643] : memref<16x32x128xf32, #tpu.memory_space<vmem>> -> memref<1x32x128xf32, #tpu.memory_space<vmem>>
      %dma_wait3A_645 = tpu.memref_squeeze %dma_wait3A_644 : memref<1x32x128xf32, #tpu.memory_space<vmem>> -> memref<32x128xf32, #tpu.memory_space<vmem>>
      %dma_wait3A_646 = arith.constant 0 : i32
      %dma_wait3A_647 = tpu.memref_slice %arg3[%dma_wait3A_646, %multiple_of3A_172] : memref<32x1000000xf32, #tpu.memory_space<hbm>> -> memref<32x128xf32, #tpu.memory_space<hbm>>
      tpu.wait_dma2 semaphore(%arg8 : memref<!tpu.dma_semaphore, #tpu.memory_space<semaphore_mem>>) src(%dma_wait3A_647 : memref<32x128xf32, #tpu.memory_space<hbm>>) dst(%dma_wait3A_645 : memref<32x128xf32, #tpu.memory_space<vmem>>)
      %slice3A_648 = vector.extract_strided_slice %get3A_11 {offsets = [8], sizes = [1], strides = [1]} : vector<16xi32> to vector<1xi32>
      %squeeze3A_649 = vector.extract %slice3A_648[0] : i32 from vector<1xi32>
      %and3A_650 = arith.constant 127 : i32
      %and3A_651 = arith.andi %squeeze3A_649, %and3A_650 : i32
      %broadcast_in_dim3A_652 = vector.broadcast %and3A_651 : i32 to vector<16xi32>
      %add3A_653 = arith.constant 8 : i32
      %add3A_654 = arith.addi %mul3A_10, %add3A_653 : i32
      %broadcast_in_dim3A_655 = vector.broadcast %add3A_654 : i32 to vector<16xi32>
      %gather3A_656 = arith.constant 8 : i32
      %gather3A_657 = arith.constant 0 : i32
      %gather3A_658 = arith.constant 0 : i32
      %gather3A_659 = tpu.memref_slice %arg6[%gather3A_656, %gather3A_657, %gather3A_658] : memref<16x32x128xf32, #tpu.memory_space<vmem>> -> memref<1x32x128xf32, #tpu.memory_space<vmem>>
      %gather3A_660 = tpu.memref_squeeze %gather3A_659 : memref<1x32x128xf32, #tpu.memory_space<vmem>> -> memref<32x128xf32, #tpu.memory_space<vmem>>
      %gather3A_661 = tpu.vector_load_idx %gather3A_660[%iota3A, %broadcast_in_dim3A_652] : memref<32x128xf32, #tpu.memory_space<vmem>>[vector<16xi32>, vector<16xi32>], vector<16xf32>,
      %add3A_662 = arith.constant 16 : i32
      %add3A_663 = vector.broadcast %add3A_662 : i32 to vector<16xi32>
      %add3A_664 = arith.addi %iota3A, %add3A_663 : vector<16xi32>
      %gather3A_665 = arith.constant 8 : i32
      %gather3A_666 = arith.constant 0 : i32
      %gather3A_667 = arith.constant 0 : i32
      %gather3A_668 = tpu.memref_slice %arg6[%gather3A_665, %gather3A_666, %gather3A_667] : memref<16x32x128xf32, #tpu.memory_space<vmem>> -> memref<1x32x128xf32, #tpu.memory_space<vmem>>
      %gather3A_669 = tpu.memref_squeeze %gather3A_668 : memref<1x32x128xf32, #tpu.memory_space<vmem>> -> memref<32x128xf32, #tpu.memory_space<vmem>>
      %gather3A_670 = tpu.vector_load_idx %gather3A_669[%add3A_664, %broadcast_in_dim3A_652] : memref<32x128xf32, #tpu.memory_space<vmem>>[vector<16xi32>, vector<16xi32>], vector<16xf32>,
      tpu.vector_store_idx %arg7[%iota3A, %broadcast_in_dim3A_655], %gather3A_661 : memref<32x512xf32, #tpu.memory_space<vmem>>[vector<16xi32>, vector<16xi32>], vector<16xf32>,
      %add3A_671 = arith.constant 16 : i32
      %add3A_672 = vector.broadcast %add3A_671 : i32 to vector<16xi32>
      %add3A_673 = arith.addi %iota3A, %add3A_672 : vector<16xi32>
      tpu.vector_store_idx %arg7[%add3A_673, %broadcast_in_dim3A_655], %gather3A_670 : memref<32x512xf32, #tpu.memory_space<vmem>>[vector<16xi32>, vector<16xi32>], vector<16xf32>,
      %dma_wait3A_674 = arith.constant 9 : i32
      %dma_wait3A_675 = arith.constant 0 : i32
      %dma_wait3A_676 = arith.constant 0 : i32
      %dma_wait3A_677 = tpu.memref_slice %arg6[%dma_wait3A_674, %dma_wait3A_675, %dma_wait3A_676] : memref<16x32x128xf32, #tpu.memory_space<vmem>> -> memref<1x32x128xf32, #tpu.memory_space<vmem>>
      %dma_wait3A_678 = tpu.memref_squeeze %dma_wait3A_677 : memref<1x32x128xf32, #tpu.memory_space<vmem>> -> memref<32x128xf32, #tpu.memory_space<vmem>>
      %dma_wait3A_679 = arith.constant 0 : i32
      %dma_wait3A_680 = tpu.memref_slice %arg3[%dma_wait3A_679, %multiple_of3A_192] : memref<32x1000000xf32, #tpu.memory_space<hbm>> -> memref<32x128xf32, #tpu.memory_space<hbm>>
      %dma_wait3A_681 = arith.constant 0 : i32
      %dma_wait3A_682 = arith.constant 0 : i32
      %dma_wait3A_683 = tpu.memref_slice %arg6[%dma_wait3A_674, %dma_wait3A_681, %dma_wait3A_682] : memref<16x32x128xf32, #tpu.memory_space<vmem>> -> memref<1x32x128xf32, #tpu.memory_space<vmem>>
      %dma_wait3A_684 = tpu.memref_squeeze %dma_wait3A_683 : memref<1x32x128xf32, #tpu.memory_space<vmem>> -> memref<32x128xf32, #tpu.memory_space<vmem>>
      %dma_wait3A_685 = arith.constant 0 : i32
      %dma_wait3A_686 = tpu.memref_slice %arg3[%dma_wait3A_685, %multiple_of3A_192] : memref<32x1000000xf32, #tpu.memory_space<hbm>> -> memref<32x128xf32, #tpu.memory_space<hbm>>
      tpu.wait_dma2 semaphore(%arg8 : memref<!tpu.dma_semaphore, #tpu.memory_space<semaphore_mem>>) src(%dma_wait3A_686 : memref<32x128xf32, #tpu.memory_space<hbm>>) dst(%dma_wait3A_684 : memref<32x128xf32, #tpu.memory_space<vmem>>)
      %slice3A_687 = vector.extract_strided_slice %get3A_11 {offsets = [9], sizes = [1], strides = [1]} : vector<16xi32> to vector<1xi32>
      %squeeze3A_688 = vector.extract %slice3A_687[0] : i32 from vector<1xi32>
      %and3A_689 = arith.constant 127 : i32
      %and3A_690 = arith.andi %squeeze3A_688, %and3A_689 : i32
      %broadcast_in_dim3A_691 = vector.broadcast %and3A_690 : i32 to vector<16xi32>
      %add3A_692 = arith.constant 9 : i32
      %add3A_693 = arith.addi %mul3A_10, %add3A_692 : i32
      %broadcast_in_dim3A_694 = vector.broadcast %add3A_693 : i32 to vector<16xi32>
      %gather3A_695 = arith.constant 9 : i32
      %gather3A_696 = arith.constant 0 : i32
      %gather3A_697 = arith.constant 0 : i32
      %gather3A_698 = tpu.memref_slice %arg6[%gather3A_695, %gather3A_696, %gather3A_697] : memref<16x32x128xf32, #tpu.memory_space<vmem>> -> memref<1x32x128xf32, #tpu.memory_space<vmem>>
      %gather3A_699 = tpu.memref_squeeze %gather3A_698 : memref<1x32x128xf32, #tpu.memory_space<vmem>> -> memref<32x128xf32, #tpu.memory_space<vmem>>
      %gather3A_700 = tpu.vector_load_idx %gather3A_699[%iota3A, %broadcast_in_dim3A_691] : memref<32x128xf32, #tpu.memory_space<vmem>>[vector<16xi32>, vector<16xi32>], vector<16xf32>,
      %add3A_701 = arith.constant 16 : i32
      %add3A_702 = vector.broadcast %add3A_701 : i32 to vector<16xi32>
      %add3A_703 = arith.addi %iota3A, %add3A_702 : vector<16xi32>
      %gather3A_704 = arith.constant 9 : i32
      %gather3A_705 = arith.constant 0 : i32
      %gather3A_706 = arith.constant 0 : i32
      %gather3A_707 = tpu.memref_slice %arg6[%gather3A_704, %gather3A_705, %gather3A_706] : memref<16x32x128xf32, #tpu.memory_space<vmem>> -> memref<1x32x128xf32, #tpu.memory_space<vmem>>
      %gather3A_708 = tpu.memref_squeeze %gather3A_707 : memref<1x32x128xf32, #tpu.memory_space<vmem>> -> memref<32x128xf32, #tpu.memory_space<vmem>>
      %gather3A_709 = tpu.vector_load_idx %gather3A_708[%add3A_703, %broadcast_in_dim3A_691] : memref<32x128xf32, #tpu.memory_space<vmem>>[vector<16xi32>, vector<16xi32>], vector<16xf32>,
      tpu.vector_store_idx %arg7[%iota3A, %broadcast_in_dim3A_694], %gather3A_700 : memref<32x512xf32, #tpu.memory_space<vmem>>[vector<16xi32>, vector<16xi32>], vector<16xf32>,
      %add3A_710 = arith.constant 16 : i32
      %add3A_711 = vector.broadcast %add3A_710 : i32 to vector<16xi32>
      %add3A_712 = arith.addi %iota3A, %add3A_711 : vector<16xi32>
      tpu.vector_store_idx %arg7[%add3A_712, %broadcast_in_dim3A_694], %gather3A_709 : memref<32x512xf32, #tpu.memory_space<vmem>>[vector<16xi32>, vector<16xi32>], vector<16xf32>,
      %dma_wait3A_713 = arith.constant 10 : i32
      %dma_wait3A_714 = arith.constant 0 : i32
      %dma_wait3A_715 = arith.constant 0 : i32
      %dma_wait3A_716 = tpu.memref_slice %arg6[%dma_wait3A_713, %dma_wait3A_714, %dma_wait3A_715] : memref<16x32x128xf32, #tpu.memory_space<vmem>> -> memref<1x32x128xf32, #tpu.memory_space<vmem>>
      %dma_wait3A_717 = tpu.memref_squeeze %dma_wait3A_716 : memref<1x32x128xf32, #tpu.memory_space<vmem>> -> memref<32x128xf32, #tpu.memory_space<vmem>>
      %dma_wait3A_718 = arith.constant 0 : i32
      %dma_wait3A_719 = tpu.memref_slice %arg3[%dma_wait3A_718, %multiple_of3A_212] : memref<32x1000000xf32, #tpu.memory_space<hbm>> -> memref<32x128xf32, #tpu.memory_space<hbm>>
      %dma_wait3A_720 = arith.constant 0 : i32
      %dma_wait3A_721 = arith.constant 0 : i32
      %dma_wait3A_722 = tpu.memref_slice %arg6[%dma_wait3A_713, %dma_wait3A_720, %dma_wait3A_721] : memref<16x32x128xf32, #tpu.memory_space<vmem>> -> memref<1x32x128xf32, #tpu.memory_space<vmem>>
      %dma_wait3A_723 = tpu.memref_squeeze %dma_wait3A_722 : memref<1x32x128xf32, #tpu.memory_space<vmem>> -> memref<32x128xf32, #tpu.memory_space<vmem>>
      %dma_wait3A_724 = arith.constant 0 : i32
      %dma_wait3A_725 = tpu.memref_slice %arg3[%dma_wait3A_724, %multiple_of3A_212] : memref<32x1000000xf32, #tpu.memory_space<hbm>> -> memref<32x128xf32, #tpu.memory_space<hbm>>
      tpu.wait_dma2 semaphore(%arg8 : memref<!tpu.dma_semaphore, #tpu.memory_space<semaphore_mem>>) src(%dma_wait3A_725 : memref<32x128xf32, #tpu.memory_space<hbm>>) dst(%dma_wait3A_723 : memref<32x128xf32, #tpu.memory_space<vmem>>)
      %slice3A_726 = vector.extract_strided_slice %get3A_11 {offsets = [10], sizes = [1], strides = [1]} : vector<16xi32> to vector<1xi32>
      %squeeze3A_727 = vector.extract %slice3A_726[0] : i32 from vector<1xi32>
      %and3A_728 = arith.constant 127 : i32
      %and3A_729 = arith.andi %squeeze3A_727, %and3A_728 : i32
      %broadcast_in_dim3A_730 = vector.broadcast %and3A_729 : i32 to vector<16xi32>
      %add3A_731 = arith.constant 10 : i32
      %add3A_732 = arith.addi %mul3A_10, %add3A_731 : i32
      %broadcast_in_dim3A_733 = vector.broadcast %add3A_732 : i32 to vector<16xi32>
      %gather3A_734 = arith.constant 10 : i32
      %gather3A_735 = arith.constant 0 : i32
      %gather3A_736 = arith.constant 0 : i32
      %gather3A_737 = tpu.memref_slice %arg6[%gather3A_734, %gather3A_735, %gather3A_736] : memref<16x32x128xf32, #tpu.memory_space<vmem>> -> memref<1x32x128xf32, #tpu.memory_space<vmem>>
      %gather3A_738 = tpu.memref_squeeze %gather3A_737 : memref<1x32x128xf32, #tpu.memory_space<vmem>> -> memref<32x128xf32, #tpu.memory_space<vmem>>
      %gather3A_739 = tpu.vector_load_idx %gather3A_738[%iota3A, %broadcast_in_dim3A_730] : memref<32x128xf32, #tpu.memory_space<vmem>>[vector<16xi32>, vector<16xi32>], vector<16xf32>,
      %add3A_740 = arith.constant 16 : i32
      %add3A_741 = vector.broadcast %add3A_740 : i32 to vector<16xi32>
      %add3A_742 = arith.addi %iota3A, %add3A_741 : vector<16xi32>
      %gather3A_743 = arith.constant 10 : i32
      %gather3A_744 = arith.constant 0 : i32
      %gather3A_745 = arith.constant 0 : i32
      %gather3A_746 = tpu.memref_slice %arg6[%gather3A_743, %gather3A_744, %gather3A_745] : memref<16x32x128xf32, #tpu.memory_space<vmem>> -> memref<1x32x128xf32, #tpu.memory_space<vmem>>
      %gather3A_747 = tpu.memref_squeeze %gather3A_746 : memref<1x32x128xf32, #tpu.memory_space<vmem>> -> memref<32x128xf32, #tpu.memory_space<vmem>>
      %gather3A_748 = tpu.vector_load_idx %gather3A_747[%add3A_742, %broadcast_in_dim3A_730] : memref<32x128xf32, #tpu.memory_space<vmem>>[vector<16xi32>, vector<16xi32>], vector<16xf32>,
      tpu.vector_store_idx %arg7[%iota3A, %broadcast_in_dim3A_733], %gather3A_739 : memref<32x512xf32, #tpu.memory_space<vmem>>[vector<16xi32>, vector<16xi32>], vector<16xf32>,
      %add3A_749 = arith.constant 16 : i32
      %add3A_750 = vector.broadcast %add3A_749 : i32 to vector<16xi32>
      %add3A_751 = arith.addi %iota3A, %add3A_750 : vector<16xi32>
      tpu.vector_store_idx %arg7[%add3A_751, %broadcast_in_dim3A_733], %gather3A_748 : memref<32x512xf32, #tpu.memory_space<vmem>>[vector<16xi32>, vector<16xi32>], vector<16xf32>,
      %dma_wait3A_752 = arith.constant 11 : i32
      %dma_wait3A_753 = arith.constant 0 : i32
      %dma_wait3A_754 = arith.constant 0 : i32
      %dma_wait3A_755 = tpu.memref_slice %arg6[%dma_wait3A_752, %dma_wait3A_753, %dma_wait3A_754] : memref<16x32x128xf32, #tpu.memory_space<vmem>> -> memref<1x32x128xf32, #tpu.memory_space<vmem>>
      %dma_wait3A_756 = tpu.memref_squeeze %dma_wait3A_755 : memref<1x32x128xf32, #tpu.memory_space<vmem>> -> memref<32x128xf32, #tpu.memory_space<vmem>>
      %dma_wait3A_757 = arith.constant 0 : i32
      %dma_wait3A_758 = tpu.memref_slice %arg3[%dma_wait3A_757, %multiple_of3A_232] : memref<32x1000000xf32, #tpu.memory_space<hbm>> -> memref<32x128xf32, #tpu.memory_space<hbm>>
      %dma_wait3A_759 = arith.constant 0 : i32
      %dma_wait3A_760 = arith.constant 0 : i32
      %dma_wait3A_761 = tpu.memref_slice %arg6[%dma_wait3A_752, %dma_wait3A_759, %dma_wait3A_760] : memref<16x32x128xf32, #tpu.memory_space<vmem>> -> memref<1x32x128xf32, #tpu.memory_space<vmem>>
      %dma_wait3A_762 = tpu.memref_squeeze %dma_wait3A_761 : memref<1x32x128xf32, #tpu.memory_space<vmem>> -> memref<32x128xf32, #tpu.memory_space<vmem>>
      %dma_wait3A_763 = arith.constant 0 : i32
      %dma_wait3A_764 = tpu.memref_slice %arg3[%dma_wait3A_763, %multiple_of3A_232] : memref<32x1000000xf32, #tpu.memory_space<hbm>> -> memref<32x128xf32, #tpu.memory_space<hbm>>
      tpu.wait_dma2 semaphore(%arg8 : memref<!tpu.dma_semaphore, #tpu.memory_space<semaphore_mem>>) src(%dma_wait3A_764 : memref<32x128xf32, #tpu.memory_space<hbm>>) dst(%dma_wait3A_762 : memref<32x128xf32, #tpu.memory_space<vmem>>)
      %slice3A_765 = vector.extract_strided_slice %get3A_11 {offsets = [11], sizes = [1], strides = [1]} : vector<16xi32> to vector<1xi32>
      %squeeze3A_766 = vector.extract %slice3A_765[0] : i32 from vector<1xi32>
      %and3A_767 = arith.constant 127 : i32
      %and3A_768 = arith.andi %squeeze3A_766, %and3A_767 : i32
      %broadcast_in_dim3A_769 = vector.broadcast %and3A_768 : i32 to vector<16xi32>
      %add3A_770 = arith.constant 11 : i32
      %add3A_771 = arith.addi %mul3A_10, %add3A_770 : i32
      %broadcast_in_dim3A_772 = vector.broadcast %add3A_771 : i32 to vector<16xi32>
      %gather3A_773 = arith.constant 11 : i32
      %gather3A_774 = arith.constant 0 : i32
      %gather3A_775 = arith.constant 0 : i32
      %gather3A_776 = tpu.memref_slice %arg6[%gather3A_773, %gather3A_774, %gather3A_775] : memref<16x32x128xf32, #tpu.memory_space<vmem>> -> memref<1x32x128xf32, #tpu.memory_space<vmem>>
      %gather3A_777 = tpu.memref_squeeze %gather3A_776 : memref<1x32x128xf32, #tpu.memory_space<vmem>> -> memref<32x128xf32, #tpu.memory_space<vmem>>
      %gather3A_778 = tpu.vector_load_idx %gather3A_777[%iota3A, %broadcast_in_dim3A_769] : memref<32x128xf32, #tpu.memory_space<vmem>>[vector<16xi32>, vector<16xi32>], vector<16xf32>,
      %add3A_779 = arith.constant 16 : i32
      %add3A_780 = vector.broadcast %add3A_779 : i32 to vector<16xi32>
      %add3A_781 = arith.addi %iota3A, %add3A_780 : vector<16xi32>
      %gather3A_782 = arith.constant 11 : i32
      %gather3A_783 = arith.constant 0 : i32
      %gather3A_784 = arith.constant 0 : i32
      %gather3A_785 = tpu.memref_slice %arg6[%gather3A_782, %gather3A_783, %gather3A_784] : memref<16x32x128xf32, #tpu.memory_space<vmem>> -> memref<1x32x128xf32, #tpu.memory_space<vmem>>
      %gather3A_786 = tpu.memref_squeeze %gather3A_785 : memref<1x32x128xf32, #tpu.memory_space<vmem>> -> memref<32x128xf32, #tpu.memory_space<vmem>>
      %gather3A_787 = tpu.vector_load_idx %gather3A_786[%add3A_781, %broadcast_in_dim3A_769] : memref<32x128xf32, #tpu.memory_space<vmem>>[vector<16xi32>, vector<16xi32>], vector<16xf32>,
      tpu.vector_store_idx %arg7[%iota3A, %broadcast_in_dim3A_772], %gather3A_778 : memref<32x512xf32, #tpu.memory_space<vmem>>[vector<16xi32>, vector<16xi32>], vector<16xf32>,
      %add3A_788 = arith.constant 16 : i32
      %add3A_789 = vector.broadcast %add3A_788 : i32 to vector<16xi32>
      %add3A_790 = arith.addi %iota3A, %add3A_789 : vector<16xi32>
      tpu.vector_store_idx %arg7[%add3A_790, %broadcast_in_dim3A_772], %gather3A_787 : memref<32x512xf32, #tpu.memory_space<vmem>>[vector<16xi32>, vector<16xi32>], vector<16xf32>,
      %dma_wait3A_791 = arith.constant 12 : i32
      %dma_wait3A_792 = arith.constant 0 : i32
      %dma_wait3A_793 = arith.constant 0 : i32
      %dma_wait3A_794 = tpu.memref_slice %arg6[%dma_wait3A_791, %dma_wait3A_792, %dma_wait3A_793] : memref<16x32x128xf32, #tpu.memory_space<vmem>> -> memref<1x32x128xf32, #tpu.memory_space<vmem>>
      %dma_wait3A_795 = tpu.memref_squeeze %dma_wait3A_794 : memref<1x32x128xf32, #tpu.memory_space<vmem>> -> memref<32x128xf32, #tpu.memory_space<vmem>>
      %dma_wait3A_796 = arith.constant 0 : i32
      %dma_wait3A_797 = tpu.memref_slice %arg3[%dma_wait3A_796, %multiple_of3A_252] : memref<32x1000000xf32, #tpu.memory_space<hbm>> -> memref<32x128xf32, #tpu.memory_space<hbm>>
      %dma_wait3A_798 = arith.constant 0 : i32
      %dma_wait3A_799 = arith.constant 0 : i32
      %dma_wait3A_800 = tpu.memref_slice %arg6[%dma_wait3A_791, %dma_wait3A_798, %dma_wait3A_799] : memref<16x32x128xf32, #tpu.memory_space<vmem>> -> memref<1x32x128xf32, #tpu.memory_space<vmem>>
      %dma_wait3A_801 = tpu.memref_squeeze %dma_wait3A_800 : memref<1x32x128xf32, #tpu.memory_space<vmem>> -> memref<32x128xf32, #tpu.memory_space<vmem>>
      %dma_wait3A_802 = arith.constant 0 : i32
      %dma_wait3A_803 = tpu.memref_slice %arg3[%dma_wait3A_802, %multiple_of3A_252] : memref<32x1000000xf32, #tpu.memory_space<hbm>> -> memref<32x128xf32, #tpu.memory_space<hbm>>
      tpu.wait_dma2 semaphore(%arg8 : memref<!tpu.dma_semaphore, #tpu.memory_space<semaphore_mem>>) src(%dma_wait3A_803 : memref<32x128xf32, #tpu.memory_space<hbm>>) dst(%dma_wait3A_801 : memref<32x128xf32, #tpu.memory_space<vmem>>)
      %slice3A_804 = vector.extract_strided_slice %get3A_11 {offsets = [12], sizes = [1], strides = [1]} : vector<16xi32> to vector<1xi32>
      %squeeze3A_805 = vector.extract %slice3A_804[0] : i32 from vector<1xi32>
      %and3A_806 = arith.constant 127 : i32
      %and3A_807 = arith.andi %squeeze3A_805, %and3A_806 : i32
      %broadcast_in_dim3A_808 = vector.broadcast %and3A_807 : i32 to vector<16xi32>
      %add3A_809 = arith.constant 12 : i32
      %add3A_810 = arith.addi %mul3A_10, %add3A_809 : i32
      %broadcast_in_dim3A_811 = vector.broadcast %add3A_810 : i32 to vector<16xi32>
      %gather3A_812 = arith.constant 12 : i32
      %gather3A_813 = arith.constant 0 : i32
      %gather3A_814 = arith.constant 0 : i32
      %gather3A_815 = tpu.memref_slice %arg6[%gather3A_812, %gather3A_813, %gather3A_814] : memref<16x32x128xf32, #tpu.memory_space<vmem>> -> memref<1x32x128xf32, #tpu.memory_space<vmem>>
      %gather3A_816 = tpu.memref_squeeze %gather3A_815 : memref<1x32x128xf32, #tpu.memory_space<vmem>> -> memref<32x128xf32, #tpu.memory_space<vmem>>
      %gather3A_817 = tpu.vector_load_idx %gather3A_816[%iota3A, %broadcast_in_dim3A_808] : memref<32x128xf32, #tpu.memory_space<vmem>>[vector<16xi32>, vector<16xi32>], vector<16xf32>,
      %add3A_818 = arith.constant 16 : i32
      %add3A_819 = vector.broadcast %add3A_818 : i32 to vector<16xi32>
      %add3A_820 = arith.addi %iota3A, %add3A_819 : vector<16xi32>
      %gather3A_821 = arith.constant 12 : i32
      %gather3A_822 = arith.constant 0 : i32
      %gather3A_823 = arith.constant 0 : i32
      %gather3A_824 = tpu.memref_slice %arg6[%gather3A_821, %gather3A_822, %gather3A_823] : memref<16x32x128xf32, #tpu.memory_space<vmem>> -> memref<1x32x128xf32, #tpu.memory_space<vmem>>
      %gather3A_825 = tpu.memref_squeeze %gather3A_824 : memref<1x32x128xf32, #tpu.memory_space<vmem>> -> memref<32x128xf32, #tpu.memory_space<vmem>>
      %gather3A_826 = tpu.vector_load_idx %gather3A_825[%add3A_820, %broadcast_in_dim3A_808] : memref<32x128xf32, #tpu.memory_space<vmem>>[vector<16xi32>, vector<16xi32>], vector<16xf32>,
      tpu.vector_store_idx %arg7[%iota3A, %broadcast_in_dim3A_811], %gather3A_817 : memref<32x512xf32, #tpu.memory_space<vmem>>[vector<16xi32>, vector<16xi32>], vector<16xf32>,
      %add3A_827 = arith.constant 16 : i32
      %add3A_828 = vector.broadcast %add3A_827 : i32 to vector<16xi32>
      %add3A_829 = arith.addi %iota3A, %add3A_828 : vector<16xi32>
      tpu.vector_store_idx %arg7[%add3A_829, %broadcast_in_dim3A_811], %gather3A_826 : memref<32x512xf32, #tpu.memory_space<vmem>>[vector<16xi32>, vector<16xi32>], vector<16xf32>,
      %dma_wait3A_830 = arith.constant 13 : i32
      %dma_wait3A_831 = arith.constant 0 : i32
      %dma_wait3A_832 = arith.constant 0 : i32
      %dma_wait3A_833 = tpu.memref_slice %arg6[%dma_wait3A_830, %dma_wait3A_831, %dma_wait3A_832] : memref<16x32x128xf32, #tpu.memory_space<vmem>> -> memref<1x32x128xf32, #tpu.memory_space<vmem>>
      %dma_wait3A_834 = tpu.memref_squeeze %dma_wait3A_833 : memref<1x32x128xf32, #tpu.memory_space<vmem>> -> memref<32x128xf32, #tpu.memory_space<vmem>>
      %dma_wait3A_835 = arith.constant 0 : i32
      %dma_wait3A_836 = tpu.memref_slice %arg3[%dma_wait3A_835, %multiple_of3A_272] : memref<32x1000000xf32, #tpu.memory_space<hbm>> -> memref<32x128xf32, #tpu.memory_space<hbm>>
      %dma_wait3A_837 = arith.constant 0 : i32
      %dma_wait3A_838 = arith.constant 0 : i32
      %dma_wait3A_839 = tpu.memref_slice %arg6[%dma_wait3A_830, %dma_wait3A_837, %dma_wait3A_838] : memref<16x32x128xf32, #tpu.memory_space<vmem>> -> memref<1x32x128xf32, #tpu.memory_space<vmem>>
      %dma_wait3A_840 = tpu.memref_squeeze %dma_wait3A_839 : memref<1x32x128xf32, #tpu.memory_space<vmem>> -> memref<32x128xf32, #tpu.memory_space<vmem>>
      %dma_wait3A_841 = arith.constant 0 : i32
      %dma_wait3A_842 = tpu.memref_slice %arg3[%dma_wait3A_841, %multiple_of3A_272] : memref<32x1000000xf32, #tpu.memory_space<hbm>> -> memref<32x128xf32, #tpu.memory_space<hbm>>
      tpu.wait_dma2 semaphore(%arg8 : memref<!tpu.dma_semaphore, #tpu.memory_space<semaphore_mem>>) src(%dma_wait3A_842 : memref<32x128xf32, #tpu.memory_space<hbm>>) dst(%dma_wait3A_840 : memref<32x128xf32, #tpu.memory_space<vmem>>)
      %slice3A_843 = vector.extract_strided_slice %get3A_11 {offsets = [13], sizes = [1], strides = [1]} : vector<16xi32> to vector<1xi32>
      %squeeze3A_844 = vector.extract %slice3A_843[0] : i32 from vector<1xi32>
      %and3A_845 = arith.constant 127 : i32
      %and3A_846 = arith.andi %squeeze3A_844, %and3A_845 : i32
      %broadcast_in_dim3A_847 = vector.broadcast %and3A_846 : i32 to vector<16xi32>
      %add3A_848 = arith.constant 13 : i32
      %add3A_849 = arith.addi %mul3A_10, %add3A_848 : i32
      %broadcast_in_dim3A_850 = vector.broadcast %add3A_849 : i32 to vector<16xi32>
      %gather3A_851 = arith.constant 13 : i32
      %gather3A_852 = arith.constant 0 : i32
      %gather3A_853 = arith.constant 0 : i32
      %gather3A_854 = tpu.memref_slice %arg6[%gather3A_851, %gather3A_852, %gather3A_853] : memref<16x32x128xf32, #tpu.memory_space<vmem>> -> memref<1x32x128xf32, #tpu.memory_space<vmem>>
      %gather3A_855 = tpu.memref_squeeze %gather3A_854 : memref<1x32x128xf32, #tpu.memory_space<vmem>> -> memref<32x128xf32, #tpu.memory_space<vmem>>
      %gather3A_856 = tpu.vector_load_idx %gather3A_855[%iota3A, %broadcast_in_dim3A_847] : memref<32x128xf32, #tpu.memory_space<vmem>>[vector<16xi32>, vector<16xi32>], vector<16xf32>,
      %add3A_857 = arith.constant 16 : i32
      %add3A_858 = vector.broadcast %add3A_857 : i32 to vector<16xi32>
      %add3A_859 = arith.addi %iota3A, %add3A_858 : vector<16xi32>
      %gather3A_860 = arith.constant 13 : i32
      %gather3A_861 = arith.constant 0 : i32
      %gather3A_862 = arith.constant 0 : i32
      %gather3A_863 = tpu.memref_slice %arg6[%gather3A_860, %gather3A_861, %gather3A_862] : memref<16x32x128xf32, #tpu.memory_space<vmem>> -> memref<1x32x128xf32, #tpu.memory_space<vmem>>
      %gather3A_864 = tpu.memref_squeeze %gather3A_863 : memref<1x32x128xf32, #tpu.memory_space<vmem>> -> memref<32x128xf32, #tpu.memory_space<vmem>>
      %gather3A_865 = tpu.vector_load_idx %gather3A_864[%add3A_859, %broadcast_in_dim3A_847] : memref<32x128xf32, #tpu.memory_space<vmem>>[vector<16xi32>, vector<16xi32>], vector<16xf32>,
      tpu.vector_store_idx %arg7[%iota3A, %broadcast_in_dim3A_850], %gather3A_856 : memref<32x512xf32, #tpu.memory_space<vmem>>[vector<16xi32>, vector<16xi32>], vector<16xf32>,
      %add3A_866 = arith.constant 16 : i32
      %add3A_867 = vector.broadcast %add3A_866 : i32 to vector<16xi32>
      %add3A_868 = arith.addi %iota3A, %add3A_867 : vector<16xi32>
      tpu.vector_store_idx %arg7[%add3A_868, %broadcast_in_dim3A_850], %gather3A_865 : memref<32x512xf32, #tpu.memory_space<vmem>>[vector<16xi32>, vector<16xi32>], vector<16xf32>,
      %dma_wait3A_869 = arith.constant 14 : i32
      %dma_wait3A_870 = arith.constant 0 : i32
      %dma_wait3A_871 = arith.constant 0 : i32
      %dma_wait3A_872 = tpu.memref_slice %arg6[%dma_wait3A_869, %dma_wait3A_870, %dma_wait3A_871] : memref<16x32x128xf32, #tpu.memory_space<vmem>> -> memref<1x32x128xf32, #tpu.memory_space<vmem>>
      %dma_wait3A_873 = tpu.memref_squeeze %dma_wait3A_872 : memref<1x32x128xf32, #tpu.memory_space<vmem>> -> memref<32x128xf32, #tpu.memory_space<vmem>>
      %dma_wait3A_874 = arith.constant 0 : i32
      %dma_wait3A_875 = tpu.memref_slice %arg3[%dma_wait3A_874, %multiple_of3A_292] : memref<32x1000000xf32, #tpu.memory_space<hbm>> -> memref<32x128xf32, #tpu.memory_space<hbm>>
      %dma_wait3A_876 = arith.constant 0 : i32
      %dma_wait3A_877 = arith.constant 0 : i32
      %dma_wait3A_878 = tpu.memref_slice %arg6[%dma_wait3A_869, %dma_wait3A_876, %dma_wait3A_877] : memref<16x32x128xf32, #tpu.memory_space<vmem>> -> memref<1x32x128xf32, #tpu.memory_space<vmem>>
      %dma_wait3A_879 = tpu.memref_squeeze %dma_wait3A_878 : memref<1x32x128xf32, #tpu.memory_space<vmem>> -> memref<32x128xf32, #tpu.memory_space<vmem>>
      %dma_wait3A_880 = arith.constant 0 : i32
      %dma_wait3A_881 = tpu.memref_slice %arg3[%dma_wait3A_880, %multiple_of3A_292] : memref<32x1000000xf32, #tpu.memory_space<hbm>> -> memref<32x128xf32, #tpu.memory_space<hbm>>
      tpu.wait_dma2 semaphore(%arg8 : memref<!tpu.dma_semaphore, #tpu.memory_space<semaphore_mem>>) src(%dma_wait3A_881 : memref<32x128xf32, #tpu.memory_space<hbm>>) dst(%dma_wait3A_879 : memref<32x128xf32, #tpu.memory_space<vmem>>)
      %slice3A_882 = vector.extract_strided_slice %get3A_11 {offsets = [14], sizes = [1], strides = [1]} : vector<16xi32> to vector<1xi32>
      %squeeze3A_883 = vector.extract %slice3A_882[0] : i32 from vector<1xi32>
      %and3A_884 = arith.constant 127 : i32
      %and3A_885 = arith.andi %squeeze3A_883, %and3A_884 : i32
      %broadcast_in_dim3A_886 = vector.broadcast %and3A_885 : i32 to vector<16xi32>
      %add3A_887 = arith.constant 14 : i32
      %add3A_888 = arith.addi %mul3A_10, %add3A_887 : i32
      %broadcast_in_dim3A_889 = vector.broadcast %add3A_888 : i32 to vector<16xi32>
      %gather3A_890 = arith.constant 14 : i32
      %gather3A_891 = arith.constant 0 : i32
      %gather3A_892 = arith.constant 0 : i32
      %gather3A_893 = tpu.memref_slice %arg6[%gather3A_890, %gather3A_891, %gather3A_892] : memref<16x32x128xf32, #tpu.memory_space<vmem>> -> memref<1x32x128xf32, #tpu.memory_space<vmem>>
      %gather3A_894 = tpu.memref_squeeze %gather3A_893 : memref<1x32x128xf32, #tpu.memory_space<vmem>> -> memref<32x128xf32, #tpu.memory_space<vmem>>
      %gather3A_895 = tpu.vector_load_idx %gather3A_894[%iota3A, %broadcast_in_dim3A_886] : memref<32x128xf32, #tpu.memory_space<vmem>>[vector<16xi32>, vector<16xi32>], vector<16xf32>,
      %add3A_896 = arith.constant 16 : i32
      %add3A_897 = vector.broadcast %add3A_896 : i32 to vector<16xi32>
      %add3A_898 = arith.addi %iota3A, %add3A_897 : vector<16xi32>
      %gather3A_899 = arith.constant 14 : i32
      %gather3A_900 = arith.constant 0 : i32
      %gather3A_901 = arith.constant 0 : i32
      %gather3A_902 = tpu.memref_slice %arg6[%gather3A_899, %gather3A_900, %gather3A_901] : memref<16x32x128xf32, #tpu.memory_space<vmem>> -> memref<1x32x128xf32, #tpu.memory_space<vmem>>
      %gather3A_903 = tpu.memref_squeeze %gather3A_902 : memref<1x32x128xf32, #tpu.memory_space<vmem>> -> memref<32x128xf32, #tpu.memory_space<vmem>>
      %gather3A_904 = tpu.vector_load_idx %gather3A_903[%add3A_898, %broadcast_in_dim3A_886] : memref<32x128xf32, #tpu.memory_space<vmem>>[vector<16xi32>, vector<16xi32>], vector<16xf32>,
      tpu.vector_store_idx %arg7[%iota3A, %broadcast_in_dim3A_889], %gather3A_895 : memref<32x512xf32, #tpu.memory_space<vmem>>[vector<16xi32>, vector<16xi32>], vector<16xf32>,
      %add3A_905 = arith.constant 16 : i32
      %add3A_906 = vector.broadcast %add3A_905 : i32 to vector<16xi32>
      %add3A_907 = arith.addi %iota3A, %add3A_906 : vector<16xi32>
      tpu.vector_store_idx %arg7[%add3A_907, %broadcast_in_dim3A_889], %gather3A_904 : memref<32x512xf32, #tpu.memory_space<vmem>>[vector<16xi32>, vector<16xi32>], vector<16xf32>,
      %dma_wait3A_908 = arith.constant 15 : i32
      %dma_wait3A_909 = arith.constant 0 : i32
      %dma_wait3A_910 = arith.constant 0 : i32
      %dma_wait3A_911 = tpu.memref_slice %arg6[%dma_wait3A_908, %dma_wait3A_909, %dma_wait3A_910] : memref<16x32x128xf32, #tpu.memory_space<vmem>> -> memref<1x32x128xf32, #tpu.memory_space<vmem>>
      %dma_wait3A_912 = tpu.memref_squeeze %dma_wait3A_911 : memref<1x32x128xf32, #tpu.memory_space<vmem>> -> memref<32x128xf32, #tpu.memory_space<vmem>>
      %dma_wait3A_913 = arith.constant 0 : i32
      %dma_wait3A_914 = tpu.memref_slice %arg3[%dma_wait3A_913, %multiple_of3A_312] : memref<32x1000000xf32, #tpu.memory_space<hbm>> -> memref<32x128xf32, #tpu.memory_space<hbm>>
      %dma_wait3A_915 = arith.constant 0 : i32
      %dma_wait3A_916 = arith.constant 0 : i32
      %dma_wait3A_917 = tpu.memref_slice %arg6[%dma_wait3A_908, %dma_wait3A_915, %dma_wait3A_916] : memref<16x32x128xf32, #tpu.memory_space<vmem>> -> memref<1x32x128xf32, #tpu.memory_space<vmem>>
      %dma_wait3A_918 = tpu.memref_squeeze %dma_wait3A_917 : memref<1x32x128xf32, #tpu.memory_space<vmem>> -> memref<32x128xf32, #tpu.memory_space<vmem>>
      %dma_wait3A_919 = arith.constant 0 : i32
      %dma_wait3A_920 = tpu.memref_slice %arg3[%dma_wait3A_919, %multiple_of3A_312] : memref<32x1000000xf32, #tpu.memory_space<hbm>> -> memref<32x128xf32, #tpu.memory_space<hbm>>
      tpu.wait_dma2 semaphore(%arg8 : memref<!tpu.dma_semaphore, #tpu.memory_space<semaphore_mem>>) src(%dma_wait3A_920 : memref<32x128xf32, #tpu.memory_space<hbm>>) dst(%dma_wait3A_918 : memref<32x128xf32, #tpu.memory_space<vmem>>)
      %slice3A_921 = vector.extract_strided_slice %get3A_11 {offsets = [15], sizes = [1], strides = [1]} : vector<16xi32> to vector<1xi32>
      %squeeze3A_922 = vector.extract %slice3A_921[0] : i32 from vector<1xi32>
      %and3A_923 = arith.constant 127 : i32
      %and3A_924 = arith.andi %squeeze3A_922, %and3A_923 : i32
      %broadcast_in_dim3A_925 = vector.broadcast %and3A_924 : i32 to vector<16xi32>
      %add3A_926 = arith.constant 15 : i32
      %add3A_927 = arith.addi %mul3A_10, %add3A_926 : i32
      %broadcast_in_dim3A_928 = vector.broadcast %add3A_927 : i32 to vector<16xi32>
      %gather3A_929 = arith.constant 15 : i32
      %gather3A_930 = arith.constant 0 : i32
      %gather3A_931 = arith.constant 0 : i32
      %gather3A_932 = tpu.memref_slice %arg6[%gather3A_929, %gather3A_930, %gather3A_931] : memref<16x32x128xf32, #tpu.memory_space<vmem>> -> memref<1x32x128xf32, #tpu.memory_space<vmem>>
      %gather3A_933 = tpu.memref_squeeze %gather3A_932 : memref<1x32x128xf32, #tpu.memory_space<vmem>> -> memref<32x128xf32, #tpu.memory_space<vmem>>
      %gather3A_934 = tpu.vector_load_idx %gather3A_933[%iota3A, %broadcast_in_dim3A_925] : memref<32x128xf32, #tpu.memory_space<vmem>>[vector<16xi32>, vector<16xi32>], vector<16xf32>,
      %add3A_935 = arith.constant 16 : i32
      %add3A_936 = vector.broadcast %add3A_935 : i32 to vector<16xi32>
      %add3A_937 = arith.addi %iota3A, %add3A_936 : vector<16xi32>
      %gather3A_938 = arith.constant 15 : i32
      %gather3A_939 = arith.constant 0 : i32
      %gather3A_940 = arith.constant 0 : i32
      %gather3A_941 = tpu.memref_slice %arg6[%gather3A_938, %gather3A_939, %gather3A_940] : memref<16x32x128xf32, #tpu.memory_space<vmem>> -> memref<1x32x128xf32, #tpu.memory_space<vmem>>
      %gather3A_942 = tpu.memref_squeeze %gather3A_941 : memref<1x32x128xf32, #tpu.memory_space<vmem>> -> memref<32x128xf32, #tpu.memory_space<vmem>>
      %gather3A_943 = tpu.vector_load_idx %gather3A_942[%add3A_937, %broadcast_in_dim3A_925] : memref<32x128xf32, #tpu.memory_space<vmem>>[vector<16xi32>, vector<16xi32>], vector<16xf32>,
      tpu.vector_store_idx %arg7[%iota3A, %broadcast_in_dim3A_928], %gather3A_934 : memref<32x512xf32, #tpu.memory_space<vmem>>[vector<16xi32>, vector<16xi32>], vector<16xf32>,
      %add3A_944 = arith.constant 16 : i32
      %add3A_945 = vector.broadcast %add3A_944 : i32 to vector<16xi32>
      %add3A_946 = arith.addi %iota3A, %add3A_945 : vector<16xi32>
      tpu.vector_store_idx %arg7[%add3A_946, %broadcast_in_dim3A_928], %gather3A_943 : memref<32x512xf32, #tpu.memory_space<vmem>>[vector<16xi32>, vector<16xi32>], vector<16xf32>,
    }
    %scan3A_7 = arith.constant 32 : i32
    "tpu.region"() ({
      %run_scoped3A = tpu.sem_alloc : memref<!tpu.dma_semaphore, #tpu.memory_space<semaphore_mem>>
      %dma_start3A = arith.constant 0 : i32
      %dma_start3A_8 = tpu.memref_slice %arg4[%dma_start3A, %mul3A_2] : memref<32x16384xf32, #tpu.memory_space<hbm>> -> memref<32x512xf32, #tpu.memory_space<hbm>>
      %dma_start3A_9 = arith.constant 0 : i32
      %dma_start3A_10 = tpu.memref_slice %arg4[%dma_start3A_9, %mul3A_2] : memref<32x16384xf32, #tpu.memory_space<hbm>> -> memref<32x512xf32, #tpu.memory_space<hbm>>
      tpu.enqueue_dma source(%arg7 : memref<32x512xf32, #tpu.memory_space<vmem>>) target(%dma_start3A_10 : memref<32x512xf32, #tpu.memory_space<hbm>>) target_semaphore(%run_scoped3A : memref<!tpu.dma_semaphore, #tpu.memory_space<semaphore_mem>>)
      %dma_wait3A = arith.constant 0 : i32
      %dma_wait3A_11 = tpu.memref_slice %arg4[%dma_wait3A, %mul3A_2] : memref<32x16384xf32, #tpu.memory_space<hbm>> -> memref<32x512xf32, #tpu.memory_space<hbm>>
      %dma_wait3A_12 = arith.constant 0 : i32
      %dma_wait3A_13 = tpu.memref_slice %arg4[%dma_wait3A_12, %mul3A_2] : memref<32x16384xf32, #tpu.memory_space<hbm>> -> memref<32x512xf32, #tpu.memory_space<hbm>>
      tpu.wait_dma2 semaphore(%run_scoped3A : memref<!tpu.dma_semaphore, #tpu.memory_space<semaphore_mem>>) src(%arg7 : memref<32x512xf32, #tpu.memory_space<vmem>>) dst(%dma_wait3A_13 : memref<32x512xf32, #tpu.memory_space<hbm>>)
      tpu.yield
    }) : () -> ()
    return
  }
}

</mosaic_0001>

<sc_bundles>
// kernel: kernel.3.cloned.1.call-start
scs
__scs_entry_jumppad:
0x0: {  	(pc) =	sbr.rel $0x88, $3  }
0x1: {  	(tag) =	ssettag $0x0;
	lr =	simm.s32 $0x1  }
0x2: {  	[smem:$0x3F9F] =	sst lr;
	_ =	strace $0xD0000000  }
0x3: {  	_ = 	snop  }
0x4: {  	_ = 	snop  }
0x5: {  	_ = 	snop  }
0x6: {  	_ = 	snop  }
0x7: {  	_ = 	snop  }
__scs_overlays_trampoline_lowered:
0x8: {  	[smem:$0x3FAE] =	sst s0  }
0x9: {  	[smem:$0x3FAF] =	sst s1  }
0xa: {  	[smem:$0x3FB0] =	sst s2  }
0xb: {  	[smem:$0x3FB1] =	sst s3  }
0xc: {  	[smem:$0x3FB2] =	sst s4  }
0xd: {  	[smem:$0x3FB3] =	sst s5  }
0xe: {  	[smem:$0x3FB4] =	sst s6  }
0xf: {  	[smem:$0x3FB5] =	sst s7  }
0x10: {  	[smem:$0x3FB6] =	sst s8  }
0x11: {  	[smem:$0x3FB7] =	sst s9;
	s0 =	simm.s32 @!p0 $0x0  }
0x12: {  	s1 =	sld [smem:$0x3F9D];
	s0 =	simm.s32 @p0 $0x1  }
0x13: {  	[smem:$0x3FB8] =	sst s0;
	s0 =	simm.s32 @!p1 $0x0  }
0x14: {  	s2 =	sld [smem:$0x3F9C];
	s0 =	simm.s32 @p1 $0x1  }
0x15: {  	[smem:$0x3FB9] =	sst s0;
	s0 =	simm.s32 @!p2 $0x0  }
0x16: {  	s3 =	sld [smem:$0x3FDB];
	s0 =	simm.s32 @p2 $0x1  }
0x17: {  	s4 =	simm.s32 $0x1BF5;
	[smem:$0x3FBB] =	sst s0  }
0x18: {  	s0 =	sld [smem:$0x3F9E];
	_ =	swait.ge [sflag:s4], $0x0  }
0x19: {  	s7 =	sld [smem:$0x3F9F]  }
0x1a: {  	s8 =	sadd.s32 $0xFFFFE003, lr  }
0x1b: {  	s9 =	sadd.s32 $0xFFFFFEF7, lr;
	s5 =	simm.s32 $0xFFFFFFFF;
	p2 =	slt.u32 s8, $0xFFFFF086  }
0x1c: {  	p1 =	slt.u32 s9, $0xF7A;
	s5 =	simm.s32 @!p2 $0x0  }
0x1d: {  	s5 =	simm.s32 @p1 $0x1;
	p0 =	seq.s32 s7, s2  }
0x1e: {  	s7 =	smul.u32 @!p0 $0xF7A, s2;
	p2 =	seq.s32 @!p0 s5, $0x0  }
0x1f: {  	s9 =	smul.u32 $0xF7A, s1;
	s8 =	simm.s32 @!p0 $0x1BF5;
	p2 =	por !p2, p0  }
0x20: {  	[sflag:s8] =	ssyncset.s32 @!p0 $0xFFFFF086;
	s6 =	sadd.s32 @!p0 s3, s7;
	s7 =	simm.s32 @!p0 $0x108  }
0x21: {  	s3 =	sadd.s32 s3, s9;
	s6 =	sadd.s32 @!p0 $0x88, s6;
	s7 =	simm.s32 @p2 $0x1082  }
0x22: {  	[simem:s7], [sflag:s8] =	dma.local @!p0 [hbm:s6], $0xF7A  }
0x23: {  	s9 =	sor.u32 $0xD0000000, s2;
	s6 =	simm.s32 $0x108;
	_ =	swait.ge @!p0 [sflag:s8], $0x0  }
0x24: {  	s3 =	sadd.s32 $0x88, s3;
	s6 =	simm.s32 @!p1 $0x1082;
	[sflag:s4] =	ssyncset.s32 $0xFFFFF086  }
0x25: {  	[simem:s6], [sflag:s4] =	dma.local [hbm:s3], $0xF7A  }
0x26: {  	[smem:$0x3F9F] =	sst s1;
	(tag) =	ssettag s2;
	_ =	strace s9  }
0x27: {  	s1 =	sld [smem:$0x3FAF]  }
0x28: {  	s2 =	sld [smem:$0x3FB0]  }
0x29: {  	s4 =	sld [smem:$0x3FB2]  }
0x2a: {  	p0 =	seq.s32 s5, $0x0;
	s5 =	sld [smem:$0x3FB3]  }
0x2b: {  	s6 =	sld [smem:$0x3FB4]  }
0x2c: {  	s7 =	sld [smem:$0x3FB5]  }
0x2d: {  	s3 =	simm.s32 $0x108;
	s8 =	sld [smem:$0x3FB6]  }
0x2e: {  	s3 =	simm.s32 @!p0 $0x1082;
	s9 =	sld [smem:$0x3FB7]  }
0x2f: {  	lr =	sadd.s32 s0, s3;
	s0 =	sld [smem:$0x3FAE]  }
0x30: {  	s3 =	sld [smem:$0x3FB1]  }
0x31: {  	[smem:$0x3FBA] =	sst s10  }
0x32: {  	s10 =	sld [smem:$0x3FB8];
	_ =	sdelay $0x3  }
0x33: {  	p0 =	seq.s32 s10, $0x1;
	s10 =	sld [smem:$0x3FBA];
	_ =	sdelay $0x3  }
0x34: {  	[smem:$0x3FBA] =	sst s10  }
0x35: {  	s10 =	sld [smem:$0x3FB9];
	_ =	sdelay $0x3  }
0x36: {  	p1 =	seq.s32 s10, $0x1;
	s10 =	sld [smem:$0x3FBA];
	_ =	sdelay $0x3  }
0x37: {  	[smem:$0x3FBA] =	sst s10  }
0x38: {  	s10 =	sld [smem:$0x3FBB]  }
0x39: {  	_ = 	snop;
	(pc) =	sbr.ind lr, $3  }
0x3a: {  	_ = 	snop  }
0x3b: {  	_ = 	snop  }
0x3c: {  	p2 =	seq.s32 s10, $0x1;
	s10 =	sld [smem:$0x3FBA]  }
0x3d: {  	_ =	shalt  }
0x3e: {  	_ =	shalt  }
0x3f: {  	_ =	shalt  }
0x40: {  	_ =	shalt  }
0x41: {  	_ =	shalt  }
0x42: {  	_ =	shalt  }
0x43: {  	_ =	shalt  }
0x44: {  	_ =	shalt  }
0x45: {  	_ =	shalt  }
0x46: {  	_ =	shalt  }
0x47: {  	_ =	shalt  }
0x48: {  	_ =	shalt  }
0x49: {  	_ =	shalt  }
0x4a: {  	_ =	shalt  }
0x4b: {  	_ =	shalt  }
0x4c: {  	_ =	shalt  }
0x4d: {  	_ =	shalt  }
0x4e: {  	_ =	shalt  }
0x4f: {  	_ =	shalt  }
0x50: {  	_ =	shalt  }
0x51: {  	_ =	shalt  }
0x52: {  	_ =	shalt  }
0x53: {  	_ =	shalt  }
0x54: {  	_ =	shalt  }
0x55: {  	_ =	shalt  }
0x56: {  	_ =	shalt  }
0x57: {  	_ =	shalt  }
0x58: {  	_ =	shalt  }
0x59: {  	_ =	shalt  }
0x5a: {  	_ =	shalt  }
0x5b: {  	_ =	shalt  }
0x5c: {  	_ =	shalt  }
0x5d: {  	_ =	shalt  }
0x5e: {  	_ =	shalt  }
0x5f: {  	_ =	shalt  }
0x60: {  	_ =	shalt  }
0x61: {  	_ =	shalt  }
0x62: {  	_ =	shalt  }
0x63: {  	_ =	shalt  }
0x64: {  	_ =	shalt  }
0x65: {  	_ =	shalt  }
0x66: {  	_ =	shalt  }
0x67: {  	_ =	shalt  }
0x68: {  	_ =	shalt  }
0x69: {  	_ =	shalt  }
0x6a: {  	_ =	shalt  }
0x6b: {  	_ =	shalt  }
0x6c: {  	_ =	shalt  }
0x6d: {  	_ =	shalt  }
0x6e: {  	_ =	shalt  }
0x6f: {  	_ =	shalt  }
0x70: {  	_ =	shalt  }
0x71: {  	_ =	shalt  }
0x72: {  	_ =	shalt  }
0x73: {  	_ =	shalt  }
0x74: {  	_ =	shalt  }
0x75: {  	_ =	shalt  }
0x76: {  	_ =	shalt  }
0x77: {  	_ =	shalt  }
0x78: {  	_ =	shalt  }
0x79: {  	_ =	shalt  }
0x7a: {  	_ =	shalt  }
0x7b: {  	_ =	shalt  }
0x7c: {  	_ =	shalt  }
0x7d: {  	_ =	shalt  }
0x7e: {  	_ =	shalt  }
0x7f: {  	_ =	shalt  }
0x80: {  	_ =	shalt  }
0x81: {  	_ =	shalt  }
0x82: {  	_ =	shalt  }
0x83: {  	_ =	shalt  }
0x84: {  	_ =	shalt  }
0x85: {  	_ =	shalt  }
0x86: {  	_ =	shalt  }
0x87: {  	_ =	shalt  }
.Lfunc_end0:
.L_simem_size_0:
called_computation_lowered:
.L_overlay_start_0:
0x88: {  	s2 =	sld [smem:$0x3FD9]  }
0x89: {  	s3 =	sld [smem:$0x3FFE];
	_ =	sdelay $0x1  }
0x8a: {  	s1 =	srdreg.scid  }
0x8b: {  	s0 =	sand.u32 $0x1, s1  }
0x8c: {  	s18 =	sshll.u32 s0, $0xA;
	s2 =	sadd.s32 s3, s2  }
0x8d: {  	s2 =	sadd.s32 s2, s18  }
0x8e: {  	[smem:$0x3FC6] =	sst s2  }
0x8f: {  	_ = 	snop  }
0x90: {  	s2 =	sld [smem:$0x3FC9]  }
0x91: {  	s19 =	sld [smem:$0x3FC8]  }
0x92: {  	s4 =	sld [smem:$0x3FD0];
	(tm) =	ssettm $0x1  }
0x93: {  	s5 =	sld [smem:$0x3FFB];
	_ =	sdelay $0x3  }
0x94: {  	_ =	strace s5  }
0x95: {  	s5 =	sld [smem:$0x3FFC];
	_ =	sdelay $0x3  }
0x96: {  	_ =	strace s5  }
0x97: {  	s5 =	sld [smem:$0x3FFD];
	_ =	sdelay $0x3  }
0x98: {  	_ =	strace s5  }
0x99: {  	_ =	strace $0x8FFFFFFF  }
0x9a: {  	s20 =	sld [smem:$0x3FDB];
	_ =	sdelay $0x1  }
0x9b: {  	s6 =	simm.s32 $_scs_section_size  }
0x9c: {  	s7 =	simm.s32 $_size__tile_overlayer_lowered;
	s8 =	simm.s32 $_tile_overlayer_lowered  }
0x9d: {  	s23 =	simm.s32 $0x1BFF;
	s22 =	sshll.u32 s8, $0x1;
	s5 =	sadd.s32 s6, s20  }
0x9e: {  	s9 =	simm.s32 $0x0;
	s21 =	sshll.u32 s7, $0x1;
	s7 =	sadd.s32 s22, s5  }
0x9f: {  	[timem:s9], [sflag:s23] =	dma.local [hbm:s7], s21  }
0xa0: {  	_ =	swait.ge [sflag:s23], s21  }
0xa1: {  	s6 =	ssub.s32 $0x0, s21;
	[sflag:s23] =	ssyncset.done $0x0  }
0xa2: {  	[sflag:s23] =	ssyncadd.s32 s6;
	_ =	sdelay $0x1  }
0xa3: {  	s24 =	simm.s32 $0x1B8B  }
0xa4: {  	_ =	swait.ge [sflag:s24], $0x1  }
0xa5: {  	[sflag:s24] =	ssyncset.done $0x0  }
0xa6: {  	s25 =	simm.s32 $0x1B8E;
	[sflag:s24] =	ssyncadd.s32 $0xFFFFFFFF  }
0xa7: {  	s26 =	simm.s32 $execute0_lowered;
	[smem:$0x3FD2] =	sst s25  }
0xa8: {  	s6 =	sshll.u32 s26, $0x1;
	_ =	strace $0x80000046;
	[dreg:$0x1] =	wrdreg $0xFFFFFFFF  }
0xa9: {  	s28 =	simm.s32 $_size_execute0_lowered;
	s5 =	sadd.s32 s5, s6;
	[dreg:$0x0] =	wrdreg $0x0  }
0xaa: {  	s6 =	sshll.u32 s28, $0x1;
	[dreg:$0x2] =	wrdreg s5  }
0xab: {  	[dreg:$0x3] =	wrdreg s6  }
0xac: {  	[dreg:$0x4] =	wrdreg $0xC0  }
0xad: {  	_ =	task [dreg:s9], $0x5FFFF  }
0xae: {  	[dreg:$0x1] =	wrdreg $0xFFFFFFFF  }
0xaf: {  	[dreg:$0x0] =	wrdreg $0x60  }
0xb0: {  	[dreg:$0x2] =	wrdreg s2  }
0xb1: {  	[dreg:$0x3] =	wrdreg s19  }
0xb2: {  	[dreg:$0x4] =	wrdreg s4  }
0xb3: {  	[dreg:$0x5] =	wrdreg $0x9  }
0xb4: {  	_ =	task.clear_ibuf [dreg:s9], $0x6FFFF;
	_ =	strace $0x90000046  }
0xb5: {  	s29 =	simm.s32 $0x9;
	_ =	strace $0x80000048  }
0xb6: {  	_ =	swait.ge [sflag:s29], $0x1  }
0xb7: {  	[sflag:s29] =	ssyncadd.s32 $0xFFFFFFFF  }
0xb8: {  	_ =	strace $0x90000048  }
0xb9: {  	_ =	sfence  }
0xba: {  	s30 =	sld [smem:$0x0];
	_ =	sdelay $0x2  }
0xbb: {  	s31 =	sshll.u32 s1, $0xD;
	s1 =	sshrl.u32 s1, $0x2  }
0xbc: {  	s3 =	sand.u32 $0x4000, s31;
	s1 =	sadd.s32 s1, s30  }
0xbd: {  	s0 =	sor.u32 s3, s0;
	s1 =	sshll.u32 s1, $0x11  }
0xbe: {  	s0 =	sor.u32 s1, s0  }
0xbf: {  	s0 =	sadd.s32 $0x8F2B, s0  }
0xc0: {  	[sflag:s0] =	ssyncadd.remote.s32 $0x1  }
0xc1: {  	_ =	sfence.sel $0xFFFF  }
0xc2: {  	[dreg:$0x0] =	wrdreg $0xFFFFFFFF;
	(pc) =	sbr.abs _section_cstart, $3  }
0xc3: {  	[dreg:$0x1] =	wrdreg $0xFFFFFFFF  }
0xc4: {  	_ =	task.clear_ibuf [dreg:s9], $0x2FFFF;
	_ =	strace $0x9FFFFFFF  }
0xc5: {  	(tm) =	ssettm $0x7FFFFFFF  }
tec
execute0_lowered:
.L_overlay_start_1:
0x0: {  	(tag) =	ssettag $0x1  }
0x1: {  	v0 =	vlaneseq.u32;
	v1 =	vimm.s32 $0x1380  }
0x2: {  	vm0 =	vcmask $0x300;
	v2 =	vimm.s32 $0x3380;
	vm1 =	vcmask $0x704  }
0x3: {  	vm15 =	vcmask $0xB08;
	v1 =	vsel vm0, $0x0, v1;
	v2 =	vsel vm0, $0x2000, v2  }
0x4: {  	s1 =	rddreg [dreg:$0x0];
	vm4 =	vcmask $0xF0C;
	v1 =	vsel vm1, $0x80, v1;
	v2 =	vsel vm1, $0x2080, v2  }
0x5: {  	s0 =	rddreg [dreg:$0x1];
	vm5 =	vcmask $0x1310;
	v1 =	vsel vm15, $0x100, v1;
	v2 =	vsel vm15, $0x2100, v2  }
0x6: {  	s2 =	rddreg [dreg:$0x2];
	s3 =	srdreg.scid;
	s6 =	simm.s32 $0x0;
	vm6 =	vcmask $0x1714;
	v1 =	vsel vm4, $0x180, v1;
	v2 =	vsel vm4, $0x2180, v2  }
0x7: {  	s5 =	stileid.u32;
	vm7 =	vcmask $0x1B18;
	s8 =	simm.s32 $0x400;
	s9 =	simm.s32 $0x7A1400;
	v1 =	vsel vm5, $0x200, v1;
	v2 =	vsel vm5, $0x2200, v2  }
0x8: {  	vm8 =	vcmask $0x1F1C;
	s19 =	simm.s32 $0x200;
	s20 =	simm.s32 $0x1200;
	s21 =	simm.s32 $0x2200;
	v1 =	vsel vm6, $0x280, v1;
	v2 =	vsel vm6, $0x2280, v2  }
0x9: {  	vm9 =	vcmask $0x2320;
	s22 =	simm.s32 $0x3200;
	s23 =	simm.s32 $0x4200;
	s24 =	simm.s32 $0x5200;
	v1 =	vsel vm7, $0x300, v1;
	v2 =	vsel vm7, $0x2300, v2  }
0xa: {  	vm10 =	vcmask $0x2724;
	s25 =	simm.s32 $0x6200;
	s17 =	simm.s32 $0x7200;
	s31 =	simm.s32 $0x8200;
	v1 =	vsel vm8, $0x380, v1;
	v2 =	vsel vm8, $0x2380, v2  }
0xb: {  	vm11 =	vcmask $0x2B28;
	s28 =	simm.s32 $0x10200;
	s3 =	sand.u32 $0x1, s3;
	s5 =	sshll.u32 s5, $0xA;
	v1 =	vsel vm9, $0x1000, v1;
	v2 =	vsel vm9, $0x3000, v2  }
0xc: {  	vm12 =	vcmask $0x2F2C;
	[smem:$0x7FF] =	sst s6;
	s4 =	ssub.s32 $0x2, s3;
	s3 =	sshll.u32 s3, $0x9;
	v1 =	vsel vm10, $0x1080, v1;
	v2 =	vsel vm10, $0x3080, v2  }
0xd: {  	vm13 =	vcmask $0x3330;
	_ =	strace $0x80000047;
	s26 =	sshrl.u32 s4, $0x1;
	s3 =	sor.u32 s3, s5;
	v1 =	vsel vm11, $0x1100, v1;
	v2 =	vsel vm11, $0x3100, v2  }
0xe: {  	vm14 =	vcmask $0x3734;
	s4 =	ssub.s32 s4, s26;
	s5 =	sshrl.u32 s3, $0x3;
	s29 =	sadd.s32 s2, s3;
	v1 =	vsel vm12, $0x1180, v1;
	v2 =	vsel vm12, $0x3180, v2  }
0xf: {  	v0 =	vmul.u32 $0x80, v0;
	s3 =	simm.s32 $0x2;
	s1 =	sadd.s32 s1, s5;
	[dreg:$0x5] =	wrdreg s29;
	v1 =	vsel vm13, $0x1200, v1;
	v2 =	vsel vm13, $0x3200, v2  }
0x10: {  	vm15 =	vcmask $0x3B38;
	s26 =	simm.s32 $0x1;
	s30 =	smax.u32 s4, $0x1;
	[dreg:$0x4] =	wrdreg s1;
	v3 =	vsel vm14, $0x1280, v1;
	v4 =	vsel vm14, $0x3280, v2  }
0x11: {  	s2 =	simm.s32 $0x0;
	s4 =	simm.s32 $0x9200;
	[dreg:$0x6] =	wrdreg s30;
	v1 =	vor.u32 $0x800, v0;
	v2 =	vsel vm15, $0x1300, v3;
	v3 =	vsel vm15, $0x3300, v4  }
.LBB2_1:
0x12: {  	[dreg:$0x7] =	wrdreg s2  }
0x13: {  	s1 =	simm.s32 $0x0;
	s10 =	rddreg [dreg:$0x4]  }
0x14: {  	[tilespmem:s1], [sflag:$0x2] =	stream.linear.gather [hbm4b:s10+s1], $0x200, $0x38;
	[tilespmem:$0x14200] =	vst v63  }
0x15: {  	_ =	swait.ge [sflag:s3], $0x200  }
0x16: {  	[sflag:s3] =	ssyncset.done $0x0  }
0x17: {  	[sflag:s3] =	ssyncadd.s32 $0xFFFFFE00  }
0x18: {  	v4 =	vld [tilespmem:s1+$0x0];
	_ =	sdelay $0x4  }
0x19: {  	(v2sf) =	vpush v4, $0x0  }
0x1a: {  	(v2sf) =	vpush v4, $0x1  }
0x1b: {  	(v2sf) =	vpush v4, $0x2;
	_ =	sdelay $0x1  }
0x1c: {  	(v2sf) =	vpush v4, $0x3;
	_ =	sdelay $0x1  }
0x1d: {  	(v2sf) =	vpush v4, $0x4;
	_ =	sdelay $0x1  }
0x1e: {  	(v2sf) =	vpush v4, $0x5;
	_ =	sdelay $0x1  }
0x1f: {  	(v2sf) =	vpush v4, $0x6;
	_ =	sdelay $0x1  }
0x20: {  	(v2sf) =	vpush v4, $0x7;
	_ =	sdelay $0x1  }
0x21: {  	(v2sf) =	vpush v4, $0x8  }
0x22: {  	s16 =	spop (v2sf)  }
0x23: {  	s3 =	simm.s32 $0xA200;
	(v2sf) =	vpush v4, $0x9;
	s11 =	sand.u32 $0xFFFFF80, s16;
	s15 =	spop (v2sf)  }
0x24: {  	s1 =	sadd.s32 s0, s11;
	s12 =	sand.u32 $0xFFFFF80, s15;
	s30 =	spop (v2sf)  }
0x25: {  	(v2sf) =	vpush v4, $0xA;
	[tilespmem:s19], [sflag:$0x1] =	stream.strided.gather [hbm4b:s1+s8], $0x1000, s9, s8, $0x38;
	[tilespmem:$0x14200] =	vst v63  }
0x26: {  	s13 =	sadd.s32 s0, s12;
	s29 =	sand.u32 $0xFFFFF80, s30;
	s14 =	spop (v2sf)  }
0x27: {  	(v2sf) =	vpush v4, $0xB;
	[tilespmem:s20], [sflag:$0x1] =	stream.strided.gather [hbm4b:s13+s8], $0x1000, s9, s8, $0x38;
	[tilespmem:$0x14200] =	vst v63  }
0x28: {  	s2 =	sadd.s32 s0, s29;
	s5 =	sand.u32 $0xFFFFF80, s14;
	s29 =	spop (v2sf)  }
0x29: {  	(v2sf) =	vpush v4, $0xC;
	[tilespmem:s21], [sflag:$0x1] =	stream.strided.gather [hbm4b:s2+s8], $0x1000, s9, s8, $0x38;
	[tilespmem:$0x14200] =	vst v63  }
0x2a: {  	s6 =	sadd.s32 s0, s5;
	s7 =	sand.u32 $0xFFFFF80, s29;
	s13 =	spop (v2sf)  }
0x2b: {  	[tilespmem:s22], [sflag:$0x1] =	stream.strided.gather [hbm4b:s6+s8], $0x1000, s9, s8, $0x38;
	[tilespmem:$0x14200] =	vst v63  }
0x2c: {  	(v2sf) =	vpush v4, $0xD;
	s10 =	sadd.s32 s0, s7;
	s11 =	sand.u32 $0xFFFFF80, s13;
	s12 =	spop (v2sf)  }
0x2d: {  	[tilespmem:s23], [sflag:$0x1] =	stream.strided.gather [hbm4b:s10+s8], $0x1000, s9, s8, $0x38;
	[tilespmem:$0x14200] =	vst v63  }
0x2e: {  	(v2sf) =	vpush v4, $0xE;
	s2 =	sadd.s32 s0, s11;
	s5 =	sand.u32 $0xFFFFF80, s12;
	s11 =	spop (v2sf)  }
0x2f: {  	[tilespmem:s24], [sflag:$0x1] =	stream.strided.gather [hbm4b:s2+s8], $0x1000, s9, s8, $0x38;
	[tilespmem:$0x14200] =	vst v63  }
0x30: {  	(v2sf) =	vpush v4, $0xF;
	s7 =	sand.u32 $0xFFFFF80, s11;
	s6 =	sadd.s32 s0, s5;
	s10 =	spop (v2sf)  }
0x31: {  	[tilespmem:s25], [sflag:$0x1] =	stream.strided.gather [hbm4b:s6+s8], $0x1000, s9, s8, $0x38;
	[tilespmem:$0x14200] =	vst v63  }
0x32: {  	s5 =	sadd.s32 s0, s7;
	s6 =	sand.u32 $0xFFFFF80, s10;
	s7 =	spop (v2sf)  }
0x33: {  	[tilespmem:s17], [sflag:$0x1] =	stream.strided.gather [hbm4b:s5+s8], $0x1000, s9, s8, $0x38;
	[tilespmem:$0x14200] =	vst v63  }
0x34: {  	s5 =	sadd.s32 s0, s6;
	s17 =	sand.u32 $0xFFFFF80, s7;
	s6 =	spop (v2sf)  }
0x35: {  	[tilespmem:s31], [sflag:$0x1] =	stream.strided.gather [hbm4b:s5+s8], $0x1000, s9, s8, $0x38;
	[tilespmem:$0x14200] =	vst v63  }
0x36: {  	s2 =	sadd.s32 s0, s17;
	s17 =	sand.u32 $0xFFFFF80, s6;
	s5 =	spop (v2sf)  }
0x37: {  	[tilespmem:s4], [sflag:$0x1] =	stream.strided.gather [hbm4b:s2+s8], $0x1000, s9, s8, $0x38;
	[tilespmem:$0x14200] =	vst v63  }
0x38: {  	s2 =	sadd.s32 s0, s17;
	s17 =	sand.u32 $0xFFFFF80, s5;
	s4 =	spop (v2sf)  }
0x39: {  	[tilespmem:s3], [sflag:$0x1] =	stream.strided.gather [hbm4b:s2+s8], $0x1000, s9, s8, $0x38;
	[tilespmem:$0x14200] =	vst v63  }
0x3a: {  	s18 =	simm.s32 $0xB200;
	s2 =	sadd.s32 s0, s17;
	s17 =	sand.u32 $0xFFFFF80, s4  }
0x3b: {  	s16 =	sand.u32 $0x7F, s16;
	s3 =	spop (v2sf);
	s1 =	sadd.s32 s0, s17  }
0x3c: {  	[tilespmem:s18], [sflag:$0x1] =	stream.strided.gather [hbm4b:s2+s8], $0x1000, s9, s8, $0x38;
	[tilespmem:$0x14200] =	vst v63  }
0x3d: {  	s17 =	sand.u32 $0xFFFFF80, s3;
	s2 =	spop (v2sf);
	s18 =	simm.s32 $0xC200  }
0x3e: {  	[tilespmem:s18], [sflag:$0x1] =	stream.strided.gather [hbm4b:s1+s8], $0x1000, s9, s8, $0x38;
	[tilespmem:$0x14200] =	vst v63  }
0x3f: {  	s17 =	sadd.s32 s0, s17;
	[dreg:$0x9] =	wrdreg s2;
	s1 =	spop (v2sf)  }
0x40: {  	s18 =	sand.u32 $0xFFFFF80, s2;
	s2 =	simm.s32 $0xD200;
	[dreg:$0x8] =	wrdreg s1  }
0x41: {  	[tilespmem:s2], [sflag:$0x1] =	stream.strided.gather [hbm4b:s17+s8], $0x1000, s9, s8, $0x38;
	[tilespmem:$0x14200] =	vst v63  }
0x42: {  	s17 =	sadd.s32 s0, s18;
	s18 =	sand.u32 $0xFFFFF80, s1;
	s2 =	simm.s32 $0xE200  }
0x43: {  	[tilespmem:s2], [sflag:$0x1] =	stream.strided.gather [hbm4b:s17+s8], $0x1000, s9, s8, $0x38;
	[tilespmem:$0x14200] =	vst v63  }
0x44: {  	v4 =	vor.u32 s16, v0;
	s18 =	sadd.s32 s0, s18;
	s17 =	simm.s32 $0x0;
	s2 =	simm.s32 $0xF200  }
0x45: {  	v6 =	vor.u32 s16, v1;
	v5 =	vmov s17;
	[tilespmem:s2], [sflag:$0x1] =	stream.strided.gather [hbm4b:s18+s8], $0x1000, s9, s8, $0x38;
	[tilespmem:$0x14200] =	vst v63  }
0x46: {  	v7 =	vshll.u32 v5, $0x3;
	_ =	swait.ge [sflag:s26], $0x1000  }
0x47: {  	v5 =	vand.u32 $0x70, v5;
	v7 =	vand.u32 $0xC00, v7;
	[sflag:s26] =	ssyncset.done $0x0  }
0x48: {  	v5 =	vor.u32 v5, v7;
	[sflag:s26] =	ssyncadd.s32 $0xFFFFF000  }
0x49: {  	v7 =	vor.u32 v2, v5;
	v4 =	vld.idx.msk [tilespmem:v4+s19+$0x0], $0xffff  }
0x4a: {  	v5 =	vor.u32 v3, v5;
	v6 =	vld.idx.msk [tilespmem:v6+s19+$0x0], $0xffff;
	_ =	sdelay $0x2  }
0x4b: {  	s15 =	sand.u32 $0x7F, s15  }
0x4c: {  	s18 =	simm.s32 $0x1;
	[tilespmem:v7+s28+$0x0] =	vst.idx.msk $0xffff, v4;
	v4 =	vor.u32 s15, v0  }
0x4d: {  	v7 =	vor.u32 s15, v1;
	[tilespmem:v5+s28+$0x0] =	vst.idx.msk $0xffff, v6;
	v5 =	vmov s18  }
0x4e: {  	_ =	swait.ge [sflag:s26], $0x1000;
	v6 =	vshll.u32 v5, $0x3  }
0x4f: {  	v5 =	vand.u32 $0x71, v5;
	[sflag:s26] =	ssyncset.done $0x0;
	v6 =	vand.u32 $0xC00, v6  }
0x50: {  	[sflag:s26] =	ssyncadd.s32 $0xFFFFF000;
	v5 =	vor.u32 v5, v6  }
0x51: {  	v4 =	vld.idx.msk [tilespmem:v4+s20+$0x0], $0xffff;
	v6 =	vor.u32 v2, v5  }
0x52: {  	v7 =	vld.idx.msk [tilespmem:v7+s20+$0x0], $0xffff;
	v5 =	vor.u32 v3, v5;
	_ =	sdelay $0x2  }
0x53: {  	s1 =	sand.u32 $0x7F, s30  }
0x54: {  	s2 =	simm.s32 $0x2;
	[tilespmem:v6+s28+$0x0] =	vst.idx.msk $0xffff, v4;
	v4 =	vor.u32 s1, v0  }
0x55: {  	v6 =	vor.u32 s1, v1;
	[tilespmem:v5+s28+$0x0] =	vst.idx.msk $0xffff, v7;
	v5 =	vmov s2  }
0x56: {  	_ =	swait.ge [sflag:s26], $0x1000;
	v7 =	vshll.u32 v5, $0x3  }
0x57: {  	v5 =	vand.u32 $0x72, v5;
	[sflag:s26] =	ssyncset.done $0x0;
	v7 =	vand.u32 $0xC00, v7  }
0x58: {  	[sflag:s26] =	ssyncadd.s32 $0xFFFFF000;
	v5 =	vor.u32 v5, v7  }
0x59: {  	v4 =	vld.idx.msk [tilespmem:v4+s21+$0x0], $0xffff;
	v7 =	vor.u32 v2, v5  }
0x5a: {  	v6 =	vld.idx.msk [tilespmem:v6+s21+$0x0], $0xffff;
	v5 =	vor.u32 v3, v5;
	_ =	sdelay $0x2  }
0x5b: {  	s14 =	sand.u32 $0x7F, s14  }
0x5c: {  	s18 =	simm.s32 $0x3;
	[tilespmem:v7+s28+$0x0] =	vst.idx.msk $0xffff, v4;
	v4 =	vor.u32 s14, v0  }
0x5d: {  	v7 =	vor.u32 s14, v1;
	[tilespmem:v5+s28+$0x0] =	vst.idx.msk $0xffff, v6;
	v5 =	vmov s18  }
0x5e: {  	_ =	swait.ge [sflag:s26], $0x1000;
	v6 =	vshll.u32 v5, $0x3  }
0x5f: {  	v5 =	vand.u32 $0x73, v5;
	[sflag:s26] =	ssyncset.done $0x0;
	v6 =	vand.u32 $0xC00, v6  }
0x60: {  	[sflag:s26] =	ssyncadd.s32 $0xFFFFF000;
	v5 =	vor.u32 v5, v6  }
0x61: {  	v4 =	vld.idx.msk [tilespmem:v4+s22+$0x0], $0xffff;
	v6 =	vor.u32 v2, v5  }
0x62: {  	v7 =	vld.idx.msk [tilespmem:v7+s22+$0x0], $0xffff;
	v5 =	vor.u32 v3, v5;
	_ =	sdelay $0x2  }
0x63: {  	s30 =	sand.u32 $0x7F, s29  }
0x64: {  	s1 =	simm.s32 $0x4;
	[tilespmem:v6+s28+$0x0] =	vst.idx.msk $0xffff, v4;
	v4 =	vor.u32 s30, v0  }
0x65: {  	v6 =	vor.u32 s30, v1;
	[tilespmem:v5+s28+$0x0] =	vst.idx.msk $0xffff, v7;
	v5 =	vmov s1  }
0x66: {  	_ =	swait.ge [sflag:s26], $0x1000;
	v7 =	vshll.u32 v5, $0x3  }
0x67: {  	v5 =	vand.u32 $0x74, v5;
	[sflag:s26] =	ssyncset.done $0x0;
	v7 =	vand.u32 $0xC00, v7  }
0x68: {  	[sflag:s26] =	ssyncadd.s32 $0xFFFFF000;
	v5 =	vor.u32 v5, v7  }
0x69: {  	v4 =	vld.idx.msk [tilespmem:v4+s23+$0x0], $0xffff;
	v7 =	vor.u32 v2, v5  }
0x6a: {  	v6 =	vld.idx.msk [tilespmem:v6+s23+$0x0], $0xffff;
	v5 =	vor.u32 v3, v5;
	_ =	sdelay $0x2  }
0x6b: {  	s13 =	sand.u32 $0x7F, s13  }
0x6c: {  	s2 =	simm.s32 $0x5;
	[tilespmem:v7+s28+$0x0] =	vst.idx.msk $0xffff, v4;
	v4 =	vor.u32 s13, v0  }
0x6d: {  	v7 =	vor.u32 s13, v1;
	[tilespmem:v5+s28+$0x0] =	vst.idx.msk $0xffff, v6;
	v5 =	vmov s2  }
0x6e: {  	_ =	swait.ge [sflag:s26], $0x1000;
	v6 =	vshll.u32 v5, $0x3  }
0x6f: {  	v5 =	vand.u32 $0x75, v5;
	[sflag:s26] =	ssyncset.done $0x0;
	v6 =	vand.u32 $0xC00, v6  }
0x70: {  	[sflag:s26] =	ssyncadd.s32 $0xFFFFF000;
	v5 =	vor.u32 v5, v6  }
0x71: {  	v4 =	vld.idx.msk [tilespmem:v4+s24+$0x0], $0xffff;
	v6 =	vor.u32 v2, v5  }
0x72: {  	v7 =	vld.idx.msk [tilespmem:v7+s24+$0x0], $0xffff;
	v5 =	vor.u32 v3, v5;
	_ =	sdelay $0x2  }
0x73: {  	s12 =	sand.u32 $0x7F, s12  }
0x74: {  	s16 =	simm.s32 $0x6;
	[tilespmem:v6+s28+$0x0] =	vst.idx.msk $0xffff, v4;
	v4 =	vor.u32 s12, v0  }
0x75: {  	v6 =	vor.u32 s12, v1;
	[tilespmem:v5+s28+$0x0] =	vst.idx.msk $0xffff, v7;
	v5 =	vmov s16  }
0x76: {  	_ =	swait.ge [sflag:s26], $0x1000;
	v7 =	vshll.u32 v5, $0x3  }
0x77: {  	v5 =	vand.u32 $0x76, v5;
	[sflag:s26] =	ssyncset.done $0x0;
	v7 =	vand.u32 $0xC00, v7  }
0x78: {  	[sflag:s26] =	ssyncadd.s32 $0xFFFFF000;
	v5 =	vor.u32 v5, v7  }
0x79: {  	v4 =	vld.idx.msk [tilespmem:v4+s25+$0x0], $0xffff;
	v7 =	vor.u32 v2, v5  }
0x7a: {  	v6 =	vld.idx.msk [tilespmem:v6+s25+$0x0], $0xffff;
	v5 =	vor.u32 v3, v5;
	_ =	sdelay $0x2  }
0x7b: {  	s11 =	sand.u32 $0x7F, s11  }
0x7c: {  	s18 =	simm.s32 $0x7;
	[tilespmem:v7+s28+$0x0] =	vst.idx.msk $0xffff, v4;
	v4 =	vor.u32 s11, v0  }
0x7d: {  	v7 =	vor.u32 s11, v1;
	[tilespmem:v5+s28+$0x0] =	vst.idx.msk $0xffff, v6;
	v5 =	vmov s18  }
0x7e: {  	_ =	swait.ge [sflag:s26], $0x1000;
	v6 =	vshll.u32 v5, $0x3  }
0x7f: {  	v5 =	vand.u32 $0x77, v5;
	[sflag:s26] =	ssyncset.done $0x0;
	v6 =	vand.u32 $0xC00, v6  }
0x80: {  	s17 =	simm.s32 $0x7200;
	[sflag:s26] =	ssyncadd.s32 $0xFFFFF000;
	v5 =	vor.u32 v5, v6  }
0x81: {  	v4 =	vld.idx.msk [tilespmem:v4+s17+$0x0], $0xffff;
	v6 =	vor.u32 v2, v5  }
0x82: {  	v7 =	vld.idx.msk [tilespmem:v7+s17+$0x0], $0xffff;
	v5 =	vor.u32 v3, v5;
	_ =	sdelay $0x2  }
0x83: {  	s10 =	sand.u32 $0x7F, s10  }
0x84: {  	s29 =	simm.s32 $0x8;
	[tilespmem:v6+s28+$0x0] =	vst.idx.msk $0xffff, v4;
	v4 =	vor.u32 s10, v0  }
0x85: {  	v6 =	vor.u32 s10, v1;
	[tilespmem:v5+s28+$0x0] =	vst.idx.msk $0xffff, v7;
	v5 =	vmov s29  }
0x86: {  	_ =	swait.ge [sflag:s26], $0x1000;
	v7 =	vshll.u32 v5, $0x3  }
0x87: {  	v5 =	vand.u32 $0x78, v5;
	[sflag:s26] =	ssyncset.done $0x0;
	v7 =	vand.u32 $0xC00, v7  }
0x88: {  	[sflag:s26] =	ssyncadd.s32 $0xFFFFF000;
	v5 =	vor.u32 v5, v7  }
0x89: {  	v4 =	vld.idx.msk [tilespmem:v4+s31+$0x0], $0xffff;
	v7 =	vor.u32 v2, v5  }
0x8a: {  	v6 =	vld.idx.msk [tilespmem:v6+s31+$0x0], $0xffff;
	v5 =	vor.u32 v3, v5;
	_ =	sdelay $0x2  }
0x8b: {  	s7 =	sand.u32 $0x7F, s7  }
0x8c: {  	s30 =	simm.s32 $0x9;
	[tilespmem:v7+s28+$0x0] =	vst.idx.msk $0xffff, v4;
	v4 =	vor.u32 s7, v0  }
0x8d: {  	v7 =	vor.u32 s7, v1;
	[tilespmem:v5+s28+$0x0] =	vst.idx.msk $0xffff, v6;
	v5 =	vmov s30  }
0x8e: {  	_ =	swait.ge [sflag:s26], $0x1000;
	v6 =	vshll.u32 v5, $0x3  }
0x8f: {  	v5 =	vand.u32 $0x79, v5;
	[sflag:s26] =	ssyncset.done $0x0;
	v6 =	vand.u32 $0xC00, v6  }
0x90: {  	s31 =	simm.s32 $0x9200;
	[sflag:s26] =	ssyncadd.s32 $0xFFFFF000;
	v5 =	vor.u32 v5, v6  }
0x91: {  	v4 =	vld.idx.msk [tilespmem:v4+s31+$0x0], $0xffff;
	v6 =	vor.u32 v2, v5  }
0x92: {  	v7 =	vld.idx.msk [tilespmem:v7+s31+$0x0], $0xffff;
	v5 =	vor.u32 v3, v5;
	_ =	sdelay $0x2  }
0x93: {  	s6 =	sand.u32 $0x7F, s6  }
0x94: {  	s1 =	simm.s32 $0xA;
	[tilespmem:v6+s28+$0x0] =	vst.idx.msk $0xffff, v4;
	v4 =	vor.u32 s6, v0  }
0x95: {  	v6 =	vor.u32 s6, v1;
	[tilespmem:v5+s28+$0x0] =	vst.idx.msk $0xffff, v7;
	v5 =	vmov s1  }
0x96: {  	_ =	swait.ge [sflag:s26], $0x1000;
	v7 =	vshll.u32 v5, $0x3  }
0x97: {  	v5 =	vand.u32 $0x7A, v5;
	[sflag:s26] =	ssyncset.done $0x0;
	v7 =	vand.u32 $0xC00, v7  }
0x98: {  	s14 =	simm.s32 $0xA200;
	[sflag:s26] =	ssyncadd.s32 $0xFFFFF000;
	v5 =	vor.u32 v5, v7  }
0x99: {  	v4 =	vld.idx.msk [tilespmem:v4+s14+$0x0], $0xffff;
	v7 =	vor.u32 v2, v5  }
0x9a: {  	v6 =	vld.idx.msk [tilespmem:v6+s14+$0x0], $0xffff;
	v5 =	vor.u32 v3, v5;
	_ =	sdelay $0x2  }
0x9b: {  	s5 =	sand.u32 $0x7F, s5  }
0x9c: {  	s2 =	simm.s32 $0xB;
	[tilespmem:v7+s28+$0x0] =	vst.idx.msk $0xffff, v4;
	v4 =	vor.u32 s5, v0  }
0x9d: {  	v7 =	vor.u32 s5, v1;
	[tilespmem:v5+s28+$0x0] =	vst.idx.msk $0xffff, v6;
	v5 =	vmov s2  }
0x9e: {  	_ =	swait.ge [sflag:s26], $0x1000;
	v6 =	vshll.u32 v5, $0x3  }
0x9f: {  	v5 =	vand.u32 $0x7B, v5;
	[sflag:s26] =	ssyncset.done $0x0;
	v6 =	vand.u32 $0xC00, v6  }
0xa0: {  	s15 =	simm.s32 $0xB200;
	[sflag:s26] =	ssyncadd.s32 $0xFFFFF000;
	v5 =	vor.u32 v5, v6  }
0xa1: {  	v4 =	vld.idx.msk [tilespmem:v4+s15+$0x0], $0xffff;
	v6 =	vor.u32 v2, v5  }
0xa2: {  	v7 =	vld.idx.msk [tilespmem:v7+s15+$0x0], $0xffff;
	v5 =	vor.u32 v3, v5;
	_ =	sdelay $0x2  }
0xa3: {  	s4 =	sand.u32 $0x7F, s4  }
0xa4: {  	s6 =	simm.s32 $0xC;
	[tilespmem:v6+s28+$0x0] =	vst.idx.msk $0xffff, v4;
	v4 =	vor.u32 s4, v0  }
0xa5: {  	v6 =	vor.u32 s4, v1;
	[tilespmem:v5+s28+$0x0] =	vst.idx.msk $0xffff, v7;
	v5 =	vmov s6  }
0xa6: {  	_ =	swait.ge [sflag:s26], $0x1000;
	v7 =	vshll.u32 v5, $0x3  }
0xa7: {  	v5 =	vand.u32 $0x7C, v5;
	[sflag:s26] =	ssyncset.done $0x0;
	v7 =	vand.u32 $0xC00, v7  }
0xa8: {  	s7 =	simm.s32 $0xC200;
	[sflag:s26] =	ssyncadd.s32 $0xFFFFF000;
	v5 =	vor.u32 v5, v7  }
0xa9: {  	v4 =	vld.idx.msk [tilespmem:v4+s7+$0x0], $0xffff;
	v7 =	vor.u32 v2, v5  }
0xaa: {  	v6 =	vld.idx.msk [tilespmem:v6+s7+$0x0], $0xffff;
	v5 =	vor.u32 v3, v5;
	_ =	sdelay $0x2  }
0xab: {  	s3 =	sand.u32 $0x7F, s3  }
0xac: {  	s10 =	simm.s32 $0xD;
	[tilespmem:v7+s28+$0x0] =	vst.idx.msk $0xffff, v4;
	v4 =	vor.u32 s3, v0  }
0xad: {  	v7 =	vor.u32 s3, v1;
	[tilespmem:v5+s28+$0x0] =	vst.idx.msk $0xffff, v6;
	v5 =	vmov s10  }
0xae: {  	_ =	swait.ge [sflag:s26], $0x1000;
	v6 =	vshll.u32 v5, $0x3  }
0xaf: {  	v5 =	vand.u32 $0x7D, v5;
	[sflag:s26] =	ssyncset.done $0x0;
	v6 =	vand.u32 $0xC00, v6  }
0xb0: {  	s11 =	simm.s32 $0xD200;
	[sflag:s26] =	ssyncadd.s32 $0xFFFFF000;
	v5 =	vor.u32 v5, v6  }
0xb1: {  	v4 =	vld.idx.msk [tilespmem:v4+s11+$0x0], $0xffff;
	v6 =	vor.u32 v2, v5  }
0xb2: {  	v7 =	vld.idx.msk [tilespmem:v7+s11+$0x0], $0xffff;
	v5 =	vor.u32 v3, v5;
	_ =	sdelay $0x1  }
0xb3: {  	s12 =	rddreg [dreg:$0x9]  }
0xb4: {  	s13 =	sand.u32 $0x7F, s12  }
0xb5: {  	s16 =	simm.s32 $0xE;
	[tilespmem:v6+s28+$0x0] =	vst.idx.msk $0xffff, v4;
	v4 =	vor.u32 s13, v0  }
0xb6: {  	v6 =	vor.u32 s13, v1;
	[tilespmem:v5+s28+$0x0] =	vst.idx.msk $0xffff, v7;
	v5 =	vmov s16  }
0xb7: {  	_ =	swait.ge [sflag:s26], $0x1000;
	v7 =	vshll.u32 v5, $0x3  }
0xb8: {  	v5 =	vand.u32 $0x7E, v5;
	[sflag:s26] =	ssyncset.done $0x0;
	v7 =	vand.u32 $0xC00, v7  }
0xb9: {  	s18 =	simm.s32 $0xE200;
	[sflag:s26] =	ssyncadd.s32 $0xFFFFF000;
	v5 =	vor.u32 v5, v7  }
0xba: {  	v4 =	vld.idx.msk [tilespmem:v4+s18+$0x0], $0xffff;
	v7 =	vor.u32 v2, v5  }
0xbb: {  	v6 =	vld.idx.msk [tilespmem:v6+s18+$0x0], $0xffff;
	v5 =	vor.u32 v3, v5;
	_ =	sdelay $0x1  }
0xbc: {  	s29 =	rddreg [dreg:$0x8]  }
0xbd: {  	s1 =	sand.u32 $0x7F, s29  }
0xbe: {  	s30 =	simm.s32 $0xF;
	[tilespmem:v7+s28+$0x0] =	vst.idx.msk $0xffff, v4;
	v4 =	vor.u32 s1, v0  }
0xbf: {  	[tilespmem:v5+s28+$0x0] =	vst.idx.msk $0xffff, v6;
	v5 =	vmov s30  }
0xc0: {  	v7 =	vor.u32 s1, v1;
	_ =	swait.ge [sflag:s26], $0x1000;
	v6 =	vshll.u32 v5, $0x3  }
0xc1: {  	v5 =	vand.u32 $0x7F, v5;
	[sflag:s26] =	ssyncset.done $0x0;
	v6 =	vand.u32 $0xC00, v6  }
0xc2: {  	s31 =	simm.s32 $0xF200;
	[sflag:s26] =	ssyncadd.s32 $0xFFFFF000;
	v5 =	vor.u32 v5, v6  }
0xc3: {  	v6 =	vld.idx.msk [tilespmem:v4+s31+$0x0], $0xffff;
	v8 =	vor.u32 v2, v5;
	_ =	sdelay $0x1  }
0xc4: {  	v4 =	vld.idx.msk [tilespmem:v7+s31+$0x0], $0xffff;
	v5 =	vor.u32 v3, v5;
	_ =	sdelay $0x2  }
0xc5: {  	s2 =	simm.s32 $0x0;
	s1 =	simm.s32 $0x1F;
	[tilespmem:v8+s28+$0x0] =	vst.idx.msk $0xffff, v6  }
.LBB2_2:
0xc6: {  	p0 =	sne.s32 s1, $0x1FF  }
0xc7: {  	[tilespmem:v5+s28+$0x0] =	vst.idx.msk $0xffff, v4;
	s2 =	sadd.s32 $0x10, s2;
	s29 =	smov.u32 s1;
	s1 =	sadd.s32 $0x10, s1  }
0xc8: {  	v4 =	vld [tilespmem:s2+$0x0];
	_ =	sdelay $0x4  }
0xc9: {  	(v2sf) =	vpush v4, $0x0  }
0xca: {  	(v2sf) =	vpush v4, $0x1  }
0xcb: {  	(v2sf) =	vpush v4, $0x2;
	_ =	sdelay $0x1  }
0xcc: {  	(v2sf) =	vpush v4, $0x3;
	_ =	sdelay $0x1  }
0xcd: {  	(v2sf) =	vpush v4, $0x4;
	_ =	sdelay $0x1  }
0xce: {  	(v2sf) =	vpush v4, $0x5;
	_ =	sdelay $0x1  }
0xcf: {  	(v2sf) =	vpush v4, $0x6;
	_ =	sdelay $0x1  }
0xd0: {  	(v2sf) =	vpush v4, $0x7;
	_ =	sdelay $0x1  }
0xd1: {  	(v2sf) =	vpush v4, $0x8  }
0xd2: {  	s3 =	spop (v2sf)  }
0xd3: {  	s4 =	sand.u32 $0xFFFFF80, s3;
	s3 =	sand.u32 $0x7F, s3;
	s6 =	spop (v2sf);
	(v2sf) =	vpush v4, $0x9  }
0xd4: {  	s4 =	sadd.s32 s0, s4;
	s7 =	sand.u32 $0xFFFFF80, s6;
	s5 =	spop (v2sf)  }
0xd5: {  	[tilespmem:s19], [sflag:$0x1] =	stream.strided.gather [hbm4b:s4+s8], $0x1000, s9, s8, $0x38;
	(v2sf) =	vpush v4, $0xA;
	[tilespmem:$0x14200] =	vst v63  }
0xd6: {  	s7 =	sadd.s32 s0, s7;
	s10 =	sand.u32 $0xFFFFF80, s5;
	s4 =	spop (v2sf)  }
0xd7: {  	[tilespmem:s20], [sflag:$0x1] =	stream.strided.gather [hbm4b:s7+s8], $0x1000, s9, s8, $0x38;
	(v2sf) =	vpush v4, $0xB;
	[tilespmem:$0x14200] =	vst v63  }
0xd8: {  	s10 =	sadd.s32 s0, s10;
	s11 =	sand.u32 $0xFFFFF80, s4;
	s7 =	spop (v2sf)  }
0xd9: {  	[tilespmem:s21], [sflag:$0x1] =	stream.strided.gather [hbm4b:s10+s8], $0x1000, s9, s8, $0x38;
	(v2sf) =	vpush v4, $0xC;
	[tilespmem:$0x14200] =	vst v63  }
0xda: {  	s11 =	sadd.s32 s0, s11;
	s12 =	sand.u32 $0xFFFFF80, s7;
	s10 =	spop (v2sf)  }
0xdb: {  	[tilespmem:s22], [sflag:$0x1] =	stream.strided.gather [hbm4b:s11+s8], $0x1000, s9, s8, $0x38;
	(v2sf) =	vpush v4, $0xD;
	[tilespmem:$0x14200] =	vst v63  }
0xdc: {  	s12 =	sadd.s32 s0, s12;
	s13 =	sand.u32 $0xFFFFF80, s10;
	s11 =	spop (v2sf)  }
0xdd: {  	[tilespmem:s23], [sflag:$0x1] =	stream.strided.gather [hbm4b:s12+s8], $0x1000, s9, s8, $0x38;
	(v2sf) =	vpush v4, $0xE;
	[tilespmem:$0x14200] =	vst v63  }
0xde: {  	s12 =	sadd.s32 s0, s13;
	s13 =	sand.u32 $0xFFFFF80, s11;
	s30 =	spop (v2sf)  }
0xdf: {  	[tilespmem:s24], [sflag:$0x1] =	stream.strided.gather [hbm4b:s12+s8], $0x1000, s9, s8, $0x38;
	(v2sf) =	vpush v4, $0xF;
	[tilespmem:$0x14200] =	vst v63  }
0xe0: {  	s12 =	sadd.s32 s0, s13;
	s13 =	sand.u32 $0xFFFFF80, s30;
	s31 =	spop (v2sf)  }
0xe1: {  	[tilespmem:s25], [sflag:$0x1] =	stream.strided.gather [hbm4b:s12+s8], $0x1000, s9, s8, $0x38;
	[tilespmem:$0x14200] =	vst v63  }
0xe2: {  	s12 =	sadd.s32 s0, s13;
	s13 =	sand.u32 $0xFFFFF80, s31;
	s16 =	spop (v2sf)  }
0xe3: {  	[tilespmem:s17], [sflag:$0x1] =	stream.strided.gather [hbm4b:s12+s8], $0x1000, s9, s8, $0x38;
	[tilespmem:$0x14200] =	vst v63  }
0xe4: {  	s12 =	sadd.s32 s0, s13  }
0xe5: {  	s13 =	sand.u32 $0xFFFFF80, s16;
	s17 =	simm.s32 $0x8200;
	s18 =	spop (v2sf)  }
0xe6: {  	[tilespmem:s17], [sflag:$0x1] =	stream.strided.gather [hbm4b:s12+s8], $0x1000, s9, s8, $0x38;
	[tilespmem:$0x14200] =	vst v63  }
0xe7: {  	s25 =	simm.s32 $0x200;
	s12 =	sadd.s32 s0, s13  }
0xe8: {  	s13 =	sand.u32 $0xFFFFF80, s18;
	s17 =	simm.s32 $0x9200;
	s19 =	spop (v2sf)  }
0xe9: {  	[tilespmem:s17], [sflag:$0x1] =	stream.strided.gather [hbm4b:s12+s8], $0x1000, s9, s8, $0x38;
	[tilespmem:$0x14200] =	vst v63  }
0xea: {  	s24 =	sand.u32 $0x7F, s6;
	s6 =	simm.s32 $0xE200;
	s12 =	sadd.s32 s0, s13  }
0xeb: {  	s13 =	sand.u32 $0xFFFFF80, s19;
	s17 =	sand.u32 $0x7F, s5;
	s20 =	spop (v2sf)  }
0xec: {  	[tilespmem:s14], [sflag:$0x1] =	stream.strided.gather [hbm4b:s12+s8], $0x1000, s9, s8, $0x38;
	[tilespmem:$0x14200] =	vst v63  }
0xed: {  	s12 =	sadd.s32 s0, s13;
	s13 =	sand.u32 $0xFFFFF80, s20;
	s21 =	spop (v2sf)  }
0xee: {  	[tilespmem:s15], [sflag:$0x1] =	stream.strided.gather [hbm4b:s12+s8], $0x1000, s9, s8, $0x38;
	[tilespmem:$0x14200] =	vst v63  }
0xef: {  	s5 =	simm.s32 $0xF200;
	s14 =	simm.s32 $0xC200;
	s12 =	sadd.s32 s0, s13  }
0xf0: {  	s13 =	sand.u32 $0xFFFFF80, s21;
	s15 =	sand.u32 $0x7F, s4;
	s22 =	spop (v2sf)  }
0xf1: {  	[tilespmem:s14], [sflag:$0x1] =	stream.strided.gather [hbm4b:s12+s8], $0x1000, s9, s8, $0x38;
	[tilespmem:$0x14200] =	vst v63  }
0xf2: {  	s4 =	sand.u32 $0x7F, s21;
	s21 =	simm.s32 $0x2200;
	s12 =	sadd.s32 s0, s13  }
0xf3: {  	s13 =	sand.u32 $0xFFFFF80, s22;
	s14 =	simm.s32 $0xD200;
	s23 =	spop (v2sf)  }
0xf4: {  	[tilespmem:s14], [sflag:$0x1] =	stream.strided.gather [hbm4b:s12+s8], $0x1000, s9, s8, $0x38;
	[tilespmem:$0x14200] =	vst v63  }
0xf5: {  	v6 =	vor.u32 s3, v1;
	v4 =	vor.u32 s3, v0;
	s3 =	sand.u32 $0x7F, s22;
	s12 =	sadd.s32 s0, s13;
	s13 =	sand.u32 $0xFFFFF80, s23  }
0xf6: {  	[tilespmem:s6], [sflag:$0x1] =	stream.strided.gather [hbm4b:s12+s8], $0x1000, s9, s8, $0x38;
	[tilespmem:$0x14200] =	vst v63  }
0xf7: {  	s14 =	sand.u32 $0x7F, s7;
	s6 =	sadd.s32 $0xFFFFFFF1, s29;
	s12 =	sadd.s32 s0, s13  }
0xf8: {  	v5 =	vmov s6;
	[tilespmem:s5], [sflag:$0x1] =	stream.strided.gather [hbm4b:s12+s8], $0x1000, s9, s8, $0x38;
	[tilespmem:$0x14200] =	vst v63  }
0xf9: {  	s7 =	sand.u32 $0x7F, s18;
	s13 =	sand.u32 $0x7F, s10;
	v7 =	vshll.u32 v5, $0x3;
	_ =	swait.ge [sflag:s26], $0x1000  }
0xfa: {  	s10 =	sand.u32 $0x7F, s31;
	v5 =	vand.u32 $0x70, v5;
	s12 =	sand.u32 $0x7F, s11;
	v7 =	vand.u32 $0xC00, v7;
	[sflag:s26] =	ssyncset.done $0x0  }
0xfb: {  	s31 =	sand.u32 $0x7F, s16;
	s11 =	sand.u32 $0x7F, s30;
	v5 =	vor.u32 v5, v7;
	[sflag:s26] =	ssyncadd.s32 $0xFFFFF000  }
0xfc: {  	s6 =	sand.u32 $0x7F, s19;
	s19 =	simm.s32 $0x200;
	v4 =	vld.idx.msk [tilespmem:v4+s25+$0x0], $0xffff;
	s25 =	simm.s32 $0x6200  }
0xfd: {  	s22 =	simm.s32 $0x3200;
	s5 =	sand.u32 $0x7F, s20;
	s20 =	simm.s32 $0x1200;
	v7 =	vor.u32 v2, v5;
	v6 =	vld.idx.msk [tilespmem:v6+s19+$0x0], $0xffff  }
0xfe: {  	s30 =	sand.u32 $0x7F, s23;
	s23 =	simm.s32 $0x4200;
	v5 =	vor.u32 v3, v5;
	_ =	sdelay $0x3  }
0xff: {  	[tilespmem:v7+s28+$0x0] =	vst.idx.msk $0xffff, v4;
	v4 =	vor.u32 s24, v0  }
0x100: {  	s16 =	sadd.s32 $0xFFFFFFF2, s29;
	[tilespmem:v5+s28+$0x0] =	vst.idx.msk $0xffff, v6;
	v5 =	vor.u32 s24, v1;
	s24 =	simm.s32 $0x5200  }
0x101: {  	v6 =	vmov s16;
	_ =	swait.ge [sflag:s26], $0x1000  }
0x102: {  	v7 =	vshll.u32 v6, $0x3;
	[sflag:s26] =	ssyncset.done $0x0  }
0x103: {  	v6 =	vand.u32 $0x71, v6;
	v7 =	vand.u32 $0xC00, v7;
	[sflag:s26] =	ssyncadd.s32 $0xFFFFF000  }
0x104: {  	v6 =	vor.u32 v6, v7;
	v4 =	vld.idx.msk [tilespmem:v4+s20+$0x0], $0xffff  }
0x105: {  	v7 =	vor.u32 v2, v6;
	v5 =	vld.idx.msk [tilespmem:v5+s20+$0x0], $0xffff  }
0x106: {  	v6 =	vor.u32 v3, v6;
	_ =	sdelay $0x3  }
0x107: {  	[tilespmem:v7+s28+$0x0] =	vst.idx.msk $0xffff, v4;
	v4 =	vor.u32 s17, v0  }
0x108: {  	s16 =	sadd.s32 $0xFFFFFFF3, s29;
	[tilespmem:v6+s28+$0x0] =	vst.idx.msk $0xffff, v5;
	v5 =	vor.u32 s17, v1;
	s17 =	simm.s32 $0x7200  }
0x109: {  	v6 =	vmov s16;
	_ =	swait.ge [sflag:s26], $0x1000  }
0x10a: {  	v7 =	vshll.u32 v6, $0x3;
	[sflag:s26] =	ssyncset.done $0x0  }
0x10b: {  	v6 =	vand.u32 $0x72, v6;
	v7 =	vand.u32 $0xC00, v7;
	[sflag:s26] =	ssyncadd.s32 $0xFFFFF000  }
0x10c: {  	v6 =	vor.u32 v6, v7;
	v4 =	vld.idx.msk [tilespmem:v4+s21+$0x0], $0xffff  }
0x10d: {  	v7 =	vor.u32 v2, v6;
	v5 =	vld.idx.msk [tilespmem:v5+s21+$0x0], $0xffff  }
0x10e: {  	v6 =	vor.u32 v3, v6;
	_ =	sdelay $0x3  }
0x10f: {  	[tilespmem:v7+s28+$0x0] =	vst.idx.msk $0xffff, v4;
	v4 =	vor.u32 s15, v0  }
0x110: {  	s16 =	sadd.s32 $0xFFFFFFF4, s29;
	[tilespmem:v6+s28+$0x0] =	vst.idx.msk $0xffff, v5;
	v5 =	vor.u32 s15, v1  }
0x111: {  	v6 =	vmov s16;
	_ =	swait.ge [sflag:s26], $0x1000  }
0x112: {  	v7 =	vshll.u32 v6, $0x3;
	[sflag:s26] =	ssyncset.done $0x0  }
0x113: {  	v6 =	vand.u32 $0x73, v6;
	v7 =	vand.u32 $0xC00, v7;
	[sflag:s26] =	ssyncadd.s32 $0xFFFFF000  }
0x114: {  	v6 =	vor.u32 v6, v7;
	v4 =	vld.idx.msk [tilespmem:v4+s22+$0x0], $0xffff  }
0x115: {  	v7 =	vor.u32 v2, v6;
	v5 =	vld.idx.msk [tilespmem:v5+s22+$0x0], $0xffff  }
0x116: {  	v6 =	vor.u32 v3, v6;
	_ =	sdelay $0x3  }
0x117: {  	[tilespmem:v7+s28+$0x0] =	vst.idx.msk $0xffff, v4;
	v4 =	vor.u32 s14, v0  }
0x118: {  	s15 =	sadd.s32 $0xFFFFFFF5, s29;
	[tilespmem:v6+s28+$0x0] =	vst.idx.msk $0xffff, v5;
	v5 =	vor.u32 s14, v1  }
0x119: {  	v6 =	vmov s15;
	s15 =	simm.s32 $0xB200;
	_ =	swait.ge [sflag:s26], $0x1000  }
0x11a: {  	v7 =	vshll.u32 v6, $0x3;
	[sflag:s26] =	ssyncset.done $0x0  }
0x11b: {  	v6 =	vand.u32 $0x74, v6;
	v7 =	vand.u32 $0xC00, v7;
	[sflag:s26] =	ssyncadd.s32 $0xFFFFF000  }
0x11c: {  	v6 =	vor.u32 v6, v7;
	v4 =	vld.idx.msk [tilespmem:v4+s23+$0x0], $0xffff  }
0x11d: {  	v7 =	vor.u32 v2, v6;
	v5 =	vld.idx.msk [tilespmem:v5+s23+$0x0], $0xffff  }
0x11e: {  	v6 =	vor.u32 v3, v6;
	_ =	sdelay $0x3  }
0x11f: {  	[tilespmem:v7+s28+$0x0] =	vst.idx.msk $0xffff, v4;
	v4 =	vor.u32 s13, v0  }
0x120: {  	s14 =	sadd.s32 $0xFFFFFFF6, s29;
	[tilespmem:v6+s28+$0x0] =	vst.idx.msk $0xffff, v5;
	v5 =	vor.u32 s13, v1  }
0x121: {  	v6 =	vmov s14;
	s14 =	simm.s32 $0xA200;
	_ =	swait.ge [sflag:s26], $0x1000  }
0x122: {  	v7 =	vshll.u32 v6, $0x3;
	[sflag:s26] =	ssyncset.done $0x0  }
0x123: {  	v6 =	vand.u32 $0x75, v6;
	v7 =	vand.u32 $0xC00, v7;
	[sflag:s26] =	ssyncadd.s32 $0xFFFFF000  }
0x124: {  	v6 =	vor.u32 v6, v7;
	v4 =	vld.idx.msk [tilespmem:v4+s24+$0x0], $0xffff  }
0x125: {  	v7 =	vor.u32 v2, v6;
	v5 =	vld.idx.msk [tilespmem:v5+s24+$0x0], $0xffff  }
0x126: {  	v6 =	vor.u32 v3, v6;
	_ =	sdelay $0x3  }
0x127: {  	[tilespmem:v7+s28+$0x0] =	vst.idx.msk $0xffff, v4;
	v4 =	vor.u32 s12, v0  }
0x128: {  	s13 =	sadd.s32 $0xFFFFFFF7, s29;
	[tilespmem:v6+s28+$0x0] =	vst.idx.msk $0xffff, v5;
	v5 =	vor.u32 s12, v1  }
0x129: {  	v6 =	vmov s13;
	_ =	swait.ge [sflag:s26], $0x1000  }
0x12a: {  	v7 =	vshll.u32 v6, $0x3;
	[sflag:s26] =	ssyncset.done $0x0  }
0x12b: {  	v6 =	vand.u32 $0x76, v6;
	v7 =	vand.u32 $0xC00, v7;
	[sflag:s26] =	ssyncadd.s32 $0xFFFFF000  }
0x12c: {  	v6 =	vor.u32 v6, v7;
	v4 =	vld.idx.msk [tilespmem:v4+s25+$0x0], $0xffff  }
0x12d: {  	v7 =	vor.u32 v2, v6;
	v5 =	vld.idx.msk [tilespmem:v5+s25+$0x0], $0xffff  }
0x12e: {  	v6 =	vor.u32 v3, v6;
	_ =	sdelay $0x3  }
0x12f: {  	[tilespmem:v7+s28+$0x0] =	vst.idx.msk $0xffff, v4;
	v4 =	vor.u32 s11, v0  }
0x130: {  	s12 =	sadd.s32 $0xFFFFFFF8, s29;
	[tilespmem:v6+s28+$0x0] =	vst.idx.msk $0xffff, v5;
	v5 =	vor.u32 s11, v1  }
0x131: {  	v6 =	vmov s12;
	_ =	swait.ge [sflag:s26], $0x1000  }
0x132: {  	v7 =	vshll.u32 v6, $0x3;
	[sflag:s26] =	ssyncset.done $0x0  }
0x133: {  	v6 =	vand.u32 $0x77, v6;
	v7 =	vand.u32 $0xC00, v7;
	[sflag:s26] =	ssyncadd.s32 $0xFFFFF000  }
0x134: {  	v6 =	vor.u32 v6, v7;
	v4 =	vld.idx.msk [tilespmem:v4+s17+$0x0], $0xffff  }
0x135: {  	v7 =	vor.u32 v2, v6;
	v5 =	vld.idx.msk [tilespmem:v5+s17+$0x0], $0xffff  }
0x136: {  	v6 =	vor.u32 v3, v6;
	_ =	sdelay $0x3  }
0x137: {  	[tilespmem:v7+s28+$0x0] =	vst.idx.msk $0xffff, v4;
	v4 =	vor.u32 s10, v0  }
0x138: {  	s11 =	sadd.s32 $0xFFFFFFF9, s29;
	[tilespmem:v6+s28+$0x0] =	vst.idx.msk $0xffff, v5;
	v5 =	vor.u32 s10, v1  }
0x139: {  	v6 =	vmov s11;
	_ =	swait.ge [sflag:s26], $0x1000  }
0x13a: {  	v7 =	vshll.u32 v6, $0x3;
	[sflag:s26] =	ssyncset.done $0x0  }
0x13b: {  	s10 =	simm.s32 $0x8200;
	v6 =	vand.u32 $0x78, v6;
	v7 =	vand.u32 $0xC00, v7;
	[sflag:s26] =	ssyncadd.s32 $0xFFFFF000  }
0x13c: {  	v6 =	vor.u32 v6, v7;
	v4 =	vld.idx.msk [tilespmem:v4+s10+$0x0], $0xffff  }
0x13d: {  	v7 =	vor.u32 v2, v6;
	v5 =	vld.idx.msk [tilespmem:v5+s10+$0x0], $0xffff  }
0x13e: {  	v6 =	vor.u32 v3, v6;
	_ =	sdelay $0x3  }
0x13f: {  	[tilespmem:v7+s28+$0x0] =	vst.idx.msk $0xffff, v4;
	v4 =	vor.u32 s31, v0  }
0x140: {  	s10 =	sadd.s32 $0xFFFFFFFA, s29;
	[tilespmem:v6+s28+$0x0] =	vst.idx.msk $0xffff, v5;
	v5 =	vor.u32 s31, v1  }
0x141: {  	v6 =	vmov s10;
	_ =	swait.ge [sflag:s26], $0x1000  }
0x142: {  	v7 =	vshll.u32 v6, $0x3;
	[sflag:s26] =	ssyncset.done $0x0  }
0x143: {  	s10 =	simm.s32 $0x9200;
	v6 =	vand.u32 $0x79, v6;
	v7 =	vand.u32 $0xC00, v7;
	[sflag:s26] =	ssyncadd.s32 $0xFFFFF000  }
0x144: {  	v6 =	vor.u32 v6, v7;
	v4 =	vld.idx.msk [tilespmem:v4+s10+$0x0], $0xffff  }
0x145: {  	v7 =	vor.u32 v2, v6;
	v5 =	vld.idx.msk [tilespmem:v5+s10+$0x0], $0xffff  }
0x146: {  	v6 =	vor.u32 v3, v6;
	_ =	sdelay $0x3  }
0x147: {  	[tilespmem:v7+s28+$0x0] =	vst.idx.msk $0xffff, v4;
	v4 =	vor.u32 s7, v0  }
0x148: {  	s10 =	sadd.s32 $0xFFFFFFFB, s29;
	[tilespmem:v6+s28+$0x0] =	vst.idx.msk $0xffff, v5;
	v5 =	vor.u32 s7, v1  }
0x149: {  	v6 =	vmov s10;
	_ =	swait.ge [sflag:s26], $0x1000  }
0x14a: {  	v7 =	vshll.u32 v6, $0x3;
	[sflag:s26] =	ssyncset.done $0x0  }
0x14b: {  	v6 =	vand.u32 $0x7A, v6;
	v7 =	vand.u32 $0xC00, v7;
	[sflag:s26] =	ssyncadd.s32 $0xFFFFF000  }
0x14c: {  	v6 =	vor.u32 v6, v7;
	v4 =	vld.idx.msk [tilespmem:v4+s14+$0x0], $0xffff  }
0x14d: {  	v7 =	vor.u32 v2, v6;
	v5 =	vld.idx.msk [tilespmem:v5+s14+$0x0], $0xffff  }
0x14e: {  	v6 =	vor.u32 v3, v6;
	_ =	sdelay $0x3  }
0x14f: {  	[tilespmem:v7+s28+$0x0] =	vst.idx.msk $0xffff, v4;
	v4 =	vor.u32 s6, v0  }
0x150: {  	s7 =	sadd.s32 $0xFFFFFFFC, s29;
	[tilespmem:v6+s28+$0x0] =	vst.idx.msk $0xffff, v5;
	v5 =	vor.u32 s6, v1  }
0x151: {  	v6 =	vmov s7;
	_ =	swait.ge [sflag:s26], $0x1000  }
0x152: {  	v7 =	vshll.u32 v6, $0x3;
	[sflag:s26] =	ssyncset.done $0x0  }
0x153: {  	v6 =	vand.u32 $0x7B, v6;
	v7 =	vand.u32 $0xC00, v7;
	[sflag:s26] =	ssyncadd.s32 $0xFFFFF000  }
0x154: {  	v6 =	vor.u32 v6, v7;
	v4 =	vld.idx.msk [tilespmem:v4+s15+$0x0], $0xffff  }
0x155: {  	v7 =	vor.u32 v2, v6;
	v5 =	vld.idx.msk [tilespmem:v5+s15+$0x0], $0xffff  }
0x156: {  	v6 =	vor.u32 v3, v6;
	_ =	sdelay $0x3  }
0x157: {  	[tilespmem:v7+s28+$0x0] =	vst.idx.msk $0xffff, v4;
	v4 =	vor.u32 s5, v0  }
0x158: {  	s6 =	sadd.s32 $0xFFFFFFFD, s29;
	[tilespmem:v6+s28+$0x0] =	vst.idx.msk $0xffff, v5;
	v5 =	vor.u32 s5, v1  }
0x159: {  	v6 =	vmov s6;
	_ =	swait.ge [sflag:s26], $0x1000  }
0x15a: {  	v7 =	vshll.u32 v6, $0x3;
	[sflag:s26] =	ssyncset.done $0x0  }
0x15b: {  	s5 =	simm.s32 $0xC200;
	v6 =	vand.u32 $0x7C, v6;
	v7 =	vand.u32 $0xC00, v7;
	[sflag:s26] =	ssyncadd.s32 $0xFFFFF000  }
0x15c: {  	v6 =	vor.u32 v6, v7;
	v4 =	vld.idx.msk [tilespmem:v4+s5+$0x0], $0xffff  }
0x15d: {  	v7 =	vor.u32 v2, v6;
	v5 =	vld.idx.msk [tilespmem:v5+s5+$0x0], $0xffff  }
0x15e: {  	v6 =	vor.u32 v3, v6;
	_ =	sdelay $0x3  }
0x15f: {  	[tilespmem:v7+s28+$0x0] =	vst.idx.msk $0xffff, v4;
	v4 =	vor.u32 s4, v0  }
0x160: {  	s5 =	sadd.s32 $0xFFFFFFFE, s29;
	[tilespmem:v6+s28+$0x0] =	vst.idx.msk $0xffff, v5;
	v5 =	vor.u32 s4, v1  }
0x161: {  	v6 =	vmov s5;
	_ =	swait.ge [sflag:s26], $0x1000  }
0x162: {  	v7 =	vshll.u32 v6, $0x3;
	[sflag:s26] =	ssyncset.done $0x0  }
0x163: {  	s4 =	simm.s32 $0xD200;
	v6 =	vand.u32 $0x7D, v6;
	v7 =	vand.u32 $0xC00, v7;
	[sflag:s26] =	ssyncadd.s32 $0xFFFFF000  }
0x164: {  	v6 =	vor.u32 v6, v7;
	v4 =	vld.idx.msk [tilespmem:v4+s4+$0x0], $0xffff  }
0x165: {  	v7 =	vor.u32 v2, v6;
	v5 =	vld.idx.msk [tilespmem:v5+s4+$0x0], $0xffff  }
0x166: {  	v6 =	vor.u32 v3, v6;
	_ =	sdelay $0x3  }
0x167: {  	[tilespmem:v7+s28+$0x0] =	vst.idx.msk $0xffff, v4;
	v4 =	vor.u32 s3, v0  }
0x168: {  	s4 =	sadd.s32 $0xFFFFFFFF, s29;
	[tilespmem:v6+s28+$0x0] =	vst.idx.msk $0xffff, v5;
	v5 =	vor.u32 s3, v1  }
0x169: {  	v6 =	vmov s4;
	_ =	swait.ge [sflag:s26], $0x1000  }
0x16a: {  	v7 =	vshll.u32 v6, $0x3;
	[sflag:s26] =	ssyncset.done $0x0  }
0x16b: {  	s3 =	simm.s32 $0xE200;
	v6 =	vand.u32 $0x7E, v6;
	v7 =	vand.u32 $0xC00, v7;
	[sflag:s26] =	ssyncadd.s32 $0xFFFFF000  }
0x16c: {  	v6 =	vor.u32 v6, v7;
	v4 =	vld.idx.msk [tilespmem:v4+s3+$0x0], $0xffff  }
0x16d: {  	v7 =	vor.u32 v2, v6;
	v5 =	vld.idx.msk [tilespmem:v5+s3+$0x0], $0xffff  }
0x16e: {  	v6 =	vor.u32 v3, v6;
	_ =	sdelay $0x3  }
0x16f: {  	[tilespmem:v7+s28+$0x0] =	vst.idx.msk $0xffff, v4;
	v4 =	vor.u32 s30, v0  }
0x170: {  	[tilespmem:v6+s28+$0x0] =	vst.idx.msk $0xffff, v5;
	v5 =	vor.u32 s30, v1  }
0x171: {  	v6 =	vmov s29;
	_ =	swait.ge [sflag:s26], $0x1000  }
0x172: {  	v7 =	vshll.u32 v6, $0x3;
	[sflag:s26] =	ssyncset.done $0x0  }
0x173: {  	s3 =	simm.s32 $0xF200;
	v6 =	vand.u32 $0x7F, v6;
	v7 =	vand.u32 $0xC00, v7;
	[sflag:s26] =	ssyncadd.s32 $0xFFFFF000  }
0x174: {  	v6 =	vor.u32 v6, v7;
	v8 =	vld.idx.msk [tilespmem:v4+s3+$0x0], $0xffff  }
0x175: {  	v7 =	vor.u32 v2, v6;
	v4 =	vld.idx.msk [tilespmem:v5+s3+$0x0], $0xffff  }
.Ltmp0:
0x176: {  	v5 =	vor.u32 v3, v6;
	(pc) =	sbr.rel @p0 .LBB2_2-.Ltmp0, $2  }
0x177: {  	_ =	sdelay $0x2  }
0x178: {  	[tilespmem:v7+s28+$0x0] =	vst.idx.msk $0xffff, v8  }
0x179: {  	_ =	sdelay $0x3  }
0x17a: {  	[tilespmem:v5+s28+$0x0] =	vst.idx.msk $0xffff, v4;
	s1 =	rddreg [dreg:$0x5];
	s2 =	simm.s32 $0x1000;
	s3 =	simm.s32 $0x20000  }
0x17b: {  	[hbm4b:s1+s2] =	stream.strided.scatter [tilespmem:s28], [sflag:$0x2], $0x4000, s3, s2, $0x38;
	[tilespmem:$0x14200] =	vst v63  }
0x17c: {  	s3 =	simm.s32 $0x2  }
0x17d: {  	_ =	swait.ge [sflag:s3], $0x4000  }
0x17e: {  	s29 =	rddreg [dreg:$0x7]  }
0x17f: {  	s30 =	rddreg [dreg:$0x6];
	s2 =	sadd.s32 $0x1, s29  }
0x180: {  	p0 =	sne.s32 s2, s30  }
.Ltmp1:
0x181: {  	_ = 	snop;
	(pc) =	sbr.rel @p0 .LBB2_1-.Ltmp1, $3  }
0x182: {  	_ =	sdelay $0x1  }
0x183: {  	[sflag:s3] =	ssyncset.done $0x0  }
0x184: {  	s31 =	simm.s32 $0x8200;
	s4 =	simm.s32 $0x9200;
	[sflag:s3] =	ssyncadd.s32 $0xFFFFC000  }
0x185: {  	_ =	sfence.sel $0x180000  }
0x186: {  	[bflag:$0x0] =	sbarrier.arrive $0xFFFF  }
0x187: {  	_ =	strace $0x90000047  }
0x188: {  	s0 =	stileid.u32;
	[bflag:$0x2] =	sbarrier.arrive $0xFFFF  }
0x189: {  	p0 =	sne.s32 s0, $0x0;
	s0 =	rddreg [dreg:$0x3]  }
0x18a: {  	s0 =	sadd.s32 @!p0 $0x100000, s0  }
0x18b: {  	[sflag:s0] =	ssyncadd.tile.s32 @!p0 $0x1;
	_ =	shalt  }
.Lfunc_end2:
_tile_overlayer_lowered:
.L_overlay_start_2:
0x18c: {  	(tag) =	ssettag $0x2  }
0x18d: {  	s0 =	rddreg [dreg:$0x0];
	s2 =	stileid.u32  }
0x18e: {  	s1 =	rddreg [dreg:$0x1];
	p0 =	sne.s32 s2, $0x0  }
0x18f: {  	s3 =	rddreg [dreg:$0x2];
	[bflag:$0x3] =	sbarrier.arrive $0xFFFF;
	s2 =	simm.s32 @!p0 $0x1C02  }
0x190: {  	[timem:s3], [sflag:s2] =	dma.local @!p0 [hbm:s0], s1  }
0x191: {  	s0 =	simm.s32 @!p0 $0x2  }
0x192: {  	_ =	swait.ge @!p0 [sflag:s0], s1  }
0x193: {  	s1 =	ssub.s32 @!p0 $0x0, s1;
	[sflag:s0] =	ssyncset.done @!p0 $0x0  }
0x194: {  	[sflag:s0] =	ssyncadd.s32 @!p0 s1  }
0x195: {  	[bflag:$0x3] =	sbarrier.arrive $0xFFFF  }
0x196: {  	_ =	shalt  }

</sc_bundles>
